<compile_context>
chip_gen: v7x
topology: tpu7x:2x2x1
jax: 0.10.2.dev20260603
libtpu: 0.0.44.dev20260713+nightly
codegen_flags: <defaults>
</compile_context>

<pallas_src>
import functools

import jax
import jax.numpy as jnp
from jax import lax
from jax.experimental import pallas as pl
from jax.experimental.pallas import tpu as pltpu
from jax.experimental.pallas import tpu_sc as plsc

B, C, H, W, K = 32, 2, 128, 128, 128
HW = H * W
L = 16
ROWS_PER_MAP = HW // L
NS = 16
NB = B // NS
DENOM = float(B * K * C) + 1e-4


def _body(tab_hbm, row0_hbm, row1_hbm, rem_hbm, tgt_hbm, out_hbm,
          row0_v, row1_v, rem_v, g0_v, g1_v, t_v,
          acc1_v, idx0_v, loss_v, shared,
          sem_idx, sem_t, sem_g0, sem_g1):
    s = lax.axis_index("s")
    iot = lax.iota(jnp.int32, L)

    cp_r0 = pltpu.async_copy(row0_hbm.at[s], row0_v, sem_idx)
    cp_r1 = pltpu.async_copy(row1_hbm.at[s], row1_v, sem_idx)
    cp_rem = pltpu.async_copy(rem_hbm.at[s], rem_v, sem_idx)
    cp_t = pltpu.async_copy(tgt_hbm.at[s], t_v, sem_t)
    idx0_v[...] = iot

    @pl.when(s == 0)
    def _zero():
        acc1_v[0, :] = jnp.zeros((L,), jnp.float32)
        pltpu.sync_copy(acc1_v, shared)

    plsc.subcore_barrier()
    cp_r0.wait()
    cp_g = []
    for i in range(NB):
        sem_g = sem_g0 if i == 0 else sem_g1
        cp_g.append([pltpu.async_copy(tab_hbm.at[row0_v.at[i]],
                                      g0_v.at[pl.ds(i * K, K)], sem_g)])
    cp_r1.wait()
    for i in range(NB):
        sem_g = sem_g0 if i == 0 else sem_g1
        cp_g[i].append(pltpu.async_copy(tab_hbm.at[row1_v.at[i]],
                                        g1_v.at[pl.ds(i * K, K)], sem_g))
    cp_rem.wait()
    cp_t.wait()
    acc = jnp.zeros((L,), jnp.float32)
    for i in range(NB):
        cp_g[i][0].wait()
        cp_g[i][1].wait()
        for j in range(K // L):
            sl = pl.ds(j * L, L)
            rem = rem_v[i, sl]
            kk = iot + (j * L + i * K)
            p0 = plsc.load_gather(g0_v, [kk, rem])
            p1 = plsc.load_gather(g1_v, [kk, rem])
            t0 = t_v[i, 0, sl]
            t1 = t_v[i, 1, sl]
            acc = (acc
                   + jnp.abs(p0 / (t0 + 1e-4) - 1.0)
                   + jnp.abs(p1 / (t1 + 1e-4) - 1.0))
    acc1_v[0, :] = acc
    pltpu.sync_copy(acc1_v, shared.at[idx0_v.at[pl.ds(0, 1)]], add=True)
    plsc.subcore_barrier()

    @pl.when(s == 0)
    def _reduce():
        pltpu.sync_copy(shared, acc1_v)
        loss_v[...] = jnp.full((L,), jnp.sum(acc1_v[0, :]) * (1.0 / DENOM))
        pltpu.sync_copy(loss_v.at[pl.ds(0, 8)], out_hbm)


@jax.jit
def kernel(output, mask, ind, target):
    del mask
    tab = output.reshape(B * C * ROWS_PER_MAP, L)
    ind32 = ind.astype(jnp.int32)
    plane = jnp.arange(B, dtype=jnp.int32)[:, None] * (C * ROWS_PER_MAP)
    row0 = (ind32 >> 4) + plane
    row1 = row0 + ROWS_PER_MAP
    rem = ind32 & 15
    tflat = jnp.transpose(target, (0, 2, 1))
    row0 = row0.reshape(NS, NB, K)
    row1 = row1.reshape(NS, NB, K)
    rem = rem.reshape(NS, NB, K)
    tflat = tflat.reshape(NS, NB, C, K)
    mesh = plsc.VectorSubcoreMesh(
        core_axis_name="c", subcore_axis_name="s", num_cores=1)
    run = functools.partial(
        pl.kernel,
        mesh=mesh,
        compiler_params=pltpu.CompilerParams(
            needs_layout_passes=False, use_tc_tiling_on_sc=False),
        out_type=jax.ShapeDtypeStruct((8,), jnp.float32),
        scratch_types=[
            pltpu.VMEM((NB, K), jnp.int32),
            pltpu.VMEM((NB, K), jnp.int32),
            pltpu.VMEM((NB, K), jnp.int32),
            pltpu.VMEM((NB * K, L), jnp.float32),
            pltpu.VMEM((NB * K, L), jnp.float32),
            pltpu.VMEM((NB, C, K), jnp.float32),
            pltpu.VMEM((1, L), jnp.float32),
            pltpu.VMEM((L,), jnp.int32),
            pltpu.VMEM((L,), jnp.float32),
            pltpu.VMEM_SHARED((1, L), jnp.float32),
            pltpu.SemaphoreType.DMA,
            pltpu.SemaphoreType.DMA,
            pltpu.SemaphoreType.DMA,
            pltpu.SemaphoreType.DMA,
        ],
    )(_body)
    return run(tab, row0, row1, rem, tflat)[0]

# --- scband reference (transcript-rebuilt; emitter-appended) ---
"""Pipeline reference for scband-norm-reg-l1-loss-2216203125356 (READ-ONLY COPY).

The authoritative reference and input builder live on the scoring server;
editing this copy changes nothing except your own understanding.
"""

import jax, jax.numpy as jnp
import numpy as np

B, C, H, W, K = 32, 2, 128, 128, 128


def setup_inputs(seed: int = 0) -> dict:
    key = jax.random.key(seed)
    k1, k2, k3 = jax.random.split(key, 3)
    output = jax.random.normal(k1, (B, C, H, W), dtype=jnp.float32)
    mask = jnp.ones((B, K), dtype=jnp.float32)
    ind = jax.random.randint(k2, (B, K), 0, H * W, dtype=jnp.int64)
    target = jax.random.uniform(k3, (B, K, C), dtype=jnp.float32)
    return {"output": output, "mask": mask, "ind": ind, "target": target}


def reference(output, mask, ind, target):
    b, c, h, w = output.shape
    # permute(0,2,3,1) + view(B, H*W, C)
    feat = jnp.transpose(output, (0, 2, 3, 1)).reshape(b, h * w, c)
    # gather along dim 1 with ind expanded to [B, K, C]
    idx = jnp.broadcast_to(ind[:, :, None], (b, ind.shape[1], c))
    pred = jnp.take_along_axis(feat, idx, axis=1)
    m = jnp.broadcast_to(mask[:, :, None], pred.shape).astype(jnp.float32)
    pred = pred / (target + 0.0001)
    tgt = target * 0 + 1
    loss = jnp.sum(jnp.abs(pred * m - tgt * m))
    loss = loss / (jnp.sum(m) + 0.0001)
    return loss

if __name__ == "__main__":
    import jax
    _d = setup_inputs()
    print(jax.jit(kernel)(*tuple(_d.values())))

</pallas_src>

<mosaic_0001>
#map = affine_map<(d0, d1) -> (0, 0)>
#map1 = affine_map<(d0, d1) -> (0, 0, 0)>
#map2 = affine_map<(d0, d1) -> (0, 0, 0, 0)>
#map3 = affine_map<(d0, d1) -> (0)>
module attributes {stable_mosaic.version = 14 : i64} {
  func.func @_body(%arg0: i32, %arg1: i32, %arg2: memref<65536x16xf32, #tpu.memory_space<hbm>>, %arg3: memref<16x2x128xi32, #tpu.memory_space<hbm>>, %arg4: memref<16x2x128xi32, #tpu.memory_space<hbm>>, %arg5: memref<16x2x128xi32, #tpu.memory_space<hbm>>, %arg6: memref<16x2x2x128xf32, #tpu.memory_space<hbm>>, %arg7: memref<8xf32, #tpu.memory_space<hbm>>, %arg8: memref<2x128xi32, #tpu.memory_space<vmem>>, %arg9: memref<2x128xi32, #tpu.memory_space<vmem>>, %arg10: memref<2x128xi32, #tpu.memory_space<vmem>>, %arg11: memref<256x16xf32, #tpu.memory_space<vmem>>, %arg12: memref<256x16xf32, #tpu.memory_space<vmem>>, %arg13: memref<2x2x128xf32, #tpu.memory_space<vmem>>, %arg14: memref<1x16xf32, #tpu.memory_space<vmem>>, %arg15: memref<16xi32, #tpu.memory_space<vmem>>, %arg16: memref<16xf32, #tpu.memory_space<vmem>>, %arg17: memref<1x16xf32, #tpu.memory_space<vmem_shared>>, %arg18: memref<!tpu.dma_semaphore, #tpu.memory_space<semaphore_mem>>, %arg19: memref<!tpu.dma_semaphore, #tpu.memory_space<semaphore_mem>>, %arg20: memref<!tpu.dma_semaphore, #tpu.memory_space<semaphore_mem>>, %arg21: memref<!tpu.dma_semaphore, #tpu.memory_space<semaphore_mem>>) attributes {dimension_semantics = [#tpu.dimension_semantics<core_parallel>, #tpu.dimension_semantics<subcore_parallel>], iteration_bounds = array<i64: 1, 16>, scalar_prefetch = 0 : i64, scratch_operands = 14 : i64, tpu.core_type = #tpu.core_type<sc_vector_subcore>, window_params = [{transform_indices = #map}, {transform_indices = #map1}, {transform_indices = #map1}, {transform_indices = #map1}, {transform_indices = #map2}, {transform_indices = #map3}]} {
    %iota3A = tpu.iota {dimensions = array<i32: 0>} : vector<16xi32>
    %dma_start3A = arith.constant 0 : i32
    %dma_start3A_0 = arith.constant 0 : i32
    %dma_start3A_1 = tpu.memref_slice %arg3[%arg1, %dma_start3A, %dma_start3A_0] : memref<16x2x128xi32, #tpu.memory_space<hbm>> -> memref<1x2x128xi32, #tpu.memory_space<hbm>>
    %dma_start3A_2 = tpu.memref_squeeze %dma_start3A_1 : memref<1x2x128xi32, #tpu.memory_space<hbm>> -> memref<2x128xi32, #tpu.memory_space<hbm>>
    %dma_start3A_3 = arith.constant 0 : i32
    %dma_start3A_4 = arith.constant 0 : i32
    %dma_start3A_5 = tpu.memref_slice %arg3[%arg1, %dma_start3A_3, %dma_start3A_4] : memref<16x2x128xi32, #tpu.memory_space<hbm>> -> memref<1x2x128xi32, #tpu.memory_space<hbm>>
    %dma_start3A_6 = tpu.memref_squeeze %dma_start3A_5 : memref<1x2x128xi32, #tpu.memory_space<hbm>> -> memref<2x128xi32, #tpu.memory_space<hbm>>
    tpu.enqueue_dma source(%dma_start3A_6 : memref<2x128xi32, #tpu.memory_space<hbm>>) target(%arg8 : memref<2x128xi32, #tpu.memory_space<vmem>>) target_semaphore(%arg18 : memref<!tpu.dma_semaphore, #tpu.memory_space<semaphore_mem>>)
    %dma_start3A_7 = arith.constant 0 : i32
    %dma_start3A_8 = arith.constant 0 : i32
    %dma_start3A_9 = tpu.memref_slice %arg4[%arg1, %dma_start3A_7, %dma_start3A_8] : memref<16x2x128xi32, #tpu.memory_space<hbm>> -> memref<1x2x128xi32, #tpu.memory_space<hbm>>
    %dma_start3A_10 = tpu.memref_squeeze %dma_start3A_9 : memref<1x2x128xi32, #tpu.memory_space<hbm>> -> memref<2x128xi32, #tpu.memory_space<hbm>>
    %dma_start3A_11 = arith.constant 0 : i32
    %dma_start3A_12 = arith.constant 0 : i32
    %dma_start3A_13 = tpu.memref_slice %arg4[%arg1, %dma_start3A_11, %dma_start3A_12] : memref<16x2x128xi32, #tpu.memory_space<hbm>> -> memref<1x2x128xi32, #tpu.memory_space<hbm>>
    %dma_start3A_14 = tpu.memref_squeeze %dma_start3A_13 : memref<1x2x128xi32, #tpu.memory_space<hbm>> -> memref<2x128xi32, #tpu.memory_space<hbm>>
    tpu.enqueue_dma source(%dma_start3A_14 : memref<2x128xi32, #tpu.memory_space<hbm>>) target(%arg9 : memref<2x128xi32, #tpu.memory_space<vmem>>) target_semaphore(%arg18 : memref<!tpu.dma_semaphore, #tpu.memory_space<semaphore_mem>>)
    %dma_start3A_15 = arith.constant 0 : i32
    %dma_start3A_16 = arith.constant 0 : i32
    %dma_start3A_17 = tpu.memref_slice %arg5[%arg1, %dma_start3A_15, %dma_start3A_16] : memref<16x2x128xi32, #tpu.memory_space<hbm>> -> memref<1x2x128xi32, #tpu.memory_space<hbm>>
    %dma_start3A_18 = tpu.memref_squeeze %dma_start3A_17 : memref<1x2x128xi32, #tpu.memory_space<hbm>> -> memref<2x128xi32, #tpu.memory_space<hbm>>
    %dma_start3A_19 = arith.constant 0 : i32
    %dma_start3A_20 = arith.constant 0 : i32
    %dma_start3A_21 = tpu.memref_slice %arg5[%arg1, %dma_start3A_19, %dma_start3A_20] : memref<16x2x128xi32, #tpu.memory_space<hbm>> -> memref<1x2x128xi32, #tpu.memory_space<hbm>>
    %dma_start3A_22 = tpu.memref_squeeze %dma_start3A_21 : memref<1x2x128xi32, #tpu.memory_space<hbm>> -> memref<2x128xi32, #tpu.memory_space<hbm>>
    tpu.enqueue_dma source(%dma_start3A_22 : memref<2x128xi32, #tpu.memory_space<hbm>>) target(%arg10 : memref<2x128xi32, #tpu.memory_space<vmem>>) target_semaphore(%arg18 : memref<!tpu.dma_semaphore, #tpu.memory_space<semaphore_mem>>)
    %dma_start3A_23 = arith.constant 0 : i32
    %dma_start3A_24 = arith.constant 0 : i32
    %dma_start3A_25 = arith.constant 0 : i32
    %dma_start3A_26 = tpu.memref_slice %arg6[%arg1, %dma_start3A_23, %dma_start3A_24, %dma_start3A_25] : memref<16x2x2x128xf32, #tpu.memory_space<hbm>> -> memref<1x2x2x128xf32, #tpu.memory_space<hbm>>
    %dma_start3A_27 = tpu.memref_squeeze %dma_start3A_26 : memref<1x2x2x128xf32, #tpu.memory_space<hbm>> -> memref<2x2x128xf32, #tpu.memory_space<hbm>>
    %dma_start3A_28 = arith.constant 0 : i32
    %dma_start3A_29 = arith.constant 0 : i32
    %dma_start3A_30 = arith.constant 0 : i32
    %dma_start3A_31 = tpu.memref_slice %arg6[%arg1, %dma_start3A_28, %dma_start3A_29, %dma_start3A_30] : memref<16x2x2x128xf32, #tpu.memory_space<hbm>> -> memref<1x2x2x128xf32, #tpu.memory_space<hbm>>
    %dma_start3A_32 = tpu.memref_squeeze %dma_start3A_31 : memref<1x2x2x128xf32, #tpu.memory_space<hbm>> -> memref<2x2x128xf32, #tpu.memory_space<hbm>>
    tpu.enqueue_dma source(%dma_start3A_32 : memref<2x2x128xf32, #tpu.memory_space<hbm>>) target(%arg13 : memref<2x2x128xf32, #tpu.memory_space<vmem>>) target_semaphore(%arg19 : memref<!tpu.dma_semaphore, #tpu.memory_space<semaphore_mem>>)
    %swap3A = arith.constant 0 : index
    %swap3A_33 = tpu.vector_load %arg15[%swap3A] {strides = array<i32>} : memref<16xi32, #tpu.memory_space<vmem>>, vector<16xi32>,
    tpu.vector_store %arg15[%swap3A], %iota3A {strides = array<i32>} : memref<16xi32, #tpu.memory_space<vmem>>, vector<16xi32>,
    %eq3A = arith.constant 0 : i32
    %eq3A_34 = arith.cmpi eq, %arg1, %eq3A : i32
    %convert_element_type3A = arith.extui %eq3A_34 : i1 to i32
    %cond3A = arith.constant 0 : i32
    %cond3A_35 = arith.cmpi ne, %convert_element_type3A, %cond3A : i32
    scf.if %cond3A_35 {
      %broadcast_in_dim3A_778 = arith.constant 0.000000e+00 : f32
      %broadcast_in_dim3A_779 = vector.broadcast %broadcast_in_dim3A_778 : f32 to vector<16xf32>
      %swap3A_780 = arith.constant 0 : i32
      %swap3A_781 = arith.index_cast %swap3A_780 : i32 to index
      %swap3A_782 = arith.constant 0 : index
      %swap3A_783 = tpu.vector_load %arg14[%swap3A_781, %swap3A_782] {strides = array<i32>} : memref<1x16xf32, #tpu.memory_space<vmem>>, vector<16xf32>,
      tpu.vector_store %arg14[%swap3A_781, %swap3A_782], %broadcast_in_dim3A_779 {strides = array<i32>} : memref<1x16xf32, #tpu.memory_space<vmem>>, vector<16xf32>,
      "tpu.region"() ({
        %run_scoped3A = tpu.sem_alloc : memref<!tpu.dma_semaphore, #tpu.memory_space<semaphore_mem>>
        tpu.enqueue_dma source(%arg14 : memref<1x16xf32, #tpu.memory_space<vmem>>) target(%arg17 : memref<1x16xf32, #tpu.memory_space<vmem_shared>>) target_semaphore(%run_scoped3A : memref<!tpu.dma_semaphore, #tpu.memory_space<semaphore_mem>>)
        tpu.wait_dma2 semaphore(%run_scoped3A : memref<!tpu.dma_semaphore, #tpu.memory_space<semaphore_mem>>) src(%arg14 : memref<1x16xf32, #tpu.memory_space<vmem>>) dst(%arg17 : memref<1x16xf32, #tpu.memory_space<vmem_shared>>)
        tpu.yield
      }) : () -> ()
    } else {
    }
    %barrier3A = arith.constant 0 : index
    tpu.barrier barrier_id(%barrier3A)
    %dma_wait3A = arith.constant 0 : i32
    %dma_wait3A_36 = arith.constant 0 : i32
    %dma_wait3A_37 = tpu.memref_slice %arg3[%arg1, %dma_wait3A, %dma_wait3A_36] : memref<16x2x128xi32, #tpu.memory_space<hbm>> -> memref<1x2x128xi32, #tpu.memory_space<hbm>>
    %dma_wait3A_38 = tpu.memref_squeeze %dma_wait3A_37 : memref<1x2x128xi32, #tpu.memory_space<hbm>> -> memref<2x128xi32, #tpu.memory_space<hbm>>
    %dma_wait3A_39 = arith.constant 0 : i32
    %dma_wait3A_40 = arith.constant 0 : i32
    %dma_wait3A_41 = tpu.memref_slice %arg3[%arg1, %dma_wait3A_39, %dma_wait3A_40] : memref<16x2x128xi32, #tpu.memory_space<hbm>> -> memref<1x2x128xi32, #tpu.memory_space<hbm>>
    %dma_wait3A_42 = tpu.memref_squeeze %dma_wait3A_41 : memref<1x2x128xi32, #tpu.memory_space<hbm>> -> memref<2x128xi32, #tpu.memory_space<hbm>>
    tpu.wait_dma2 semaphore(%arg18 : memref<!tpu.dma_semaphore, #tpu.memory_space<semaphore_mem>>) src(%dma_wait3A_42 : memref<2x128xi32, #tpu.memory_space<hbm>>) dst(%arg8 : memref<2x128xi32, #tpu.memory_space<vmem>>)
    %dma_start3A_43 = arith.constant 0 : i32
    %dma_start3A_44 = arith.constant 0 : i32
    %dma_start3A_45 = arith.constant 0 : i32
    %dma_start3A_46 = tpu.memref_slice %arg11[%dma_start3A_44, %dma_start3A_45] : memref<256x16xf32, #tpu.memory_space<vmem>> -> memref<128x16xf32, #tpu.memory_space<vmem>>
    %dma_start3A_47 = arith.constant 0 : i32
    %dma_start3A_48 = tpu.memref_slice %arg8[%dma_start3A_43, %dma_start3A_47] : memref<2x128xi32, #tpu.memory_space<vmem>> -> memref<1x128xi32, #tpu.memory_space<vmem>>
    %dma_start3A_49 = tpu.memref_squeeze %dma_start3A_48 : memref<1x128xi32, #tpu.memory_space<vmem>> -> memref<128xi32, #tpu.memory_space<vmem>>
    %dma_start3A_50 = arith.constant 0 : i32
    %dma_start3A_51 = arith.constant 0 : i32
    %dma_start3A_52 = tpu.memref_slice %arg2[%dma_start3A_50, %dma_start3A_51] : memref<65536x16xf32, #tpu.memory_space<hbm>> -> memref<65536x16xf32, #tpu.memory_space<hbm>>
    tpu.enqueue_indirect_dma source(%dma_start3A_52 : memref<65536x16xf32, #tpu.memory_space<hbm>>) target(%dma_start3A_46 : memref<128x16xf32, #tpu.memory_space<vmem>>) offsets(%dma_start3A_49 : memref<128xi32, #tpu.memory_space<vmem>>) semaphore(%arg20 : memref<!tpu.dma_semaphore, #tpu.memory_space<semaphore_mem>>)
    %dma_start3A_53 = arith.constant 1 : i32
    %dma_start3A_54 = arith.constant 128 : i32
    %dma_start3A_55 = arith.constant 0 : i32
    %dma_start3A_56 = tpu.memref_slice %arg11[%dma_start3A_54, %dma_start3A_55] : memref<256x16xf32, #tpu.memory_space<vmem>> -> memref<128x16xf32, #tpu.memory_space<vmem>>
    %dma_start3A_57 = arith.constant 0 : i32
    %dma_start3A_58 = tpu.memref_slice %arg8[%dma_start3A_53, %dma_start3A_57] : memref<2x128xi32, #tpu.memory_space<vmem>> -> memref<1x128xi32, #tpu.memory_space<vmem>>
    %dma_start3A_59 = tpu.memref_squeeze %dma_start3A_58 : memref<1x128xi32, #tpu.memory_space<vmem>> -> memref<128xi32, #tpu.memory_space<vmem>>
    %dma_start3A_60 = arith.constant 0 : i32
    %dma_start3A_61 = arith.constant 0 : i32
    %dma_start3A_62 = tpu.memref_slice %arg2[%dma_start3A_60, %dma_start3A_61] : memref<65536x16xf32, #tpu.memory_space<hbm>> -> memref<65536x16xf32, #tpu.memory_space<hbm>>
    tpu.enqueue_indirect_dma source(%dma_start3A_62 : memref<65536x16xf32, #tpu.memory_space<hbm>>) target(%dma_start3A_56 : memref<128x16xf32, #tpu.memory_space<vmem>>) offsets(%dma_start3A_59 : memref<128xi32, #tpu.memory_space<vmem>>) semaphore(%arg21 : memref<!tpu.dma_semaphore, #tpu.memory_space<semaphore_mem>>)
    %dma_wait3A_63 = arith.constant 0 : i32
    %dma_wait3A_64 = arith.constant 0 : i32
    %dma_wait3A_65 = tpu.memref_slice %arg4[%arg1, %dma_wait3A_63, %dma_wait3A_64] : memref<16x2x128xi32, #tpu.memory_space<hbm>> -> memref<1x2x128xi32, #tpu.memory_space<hbm>>
    %dma_wait3A_66 = tpu.memref_squeeze %dma_wait3A_65 : memref<1x2x128xi32, #tpu.memory_space<hbm>> -> memref<2x128xi32, #tpu.memory_space<hbm>>
    %dma_wait3A_67 = arith.constant 0 : i32
    %dma_wait3A_68 = arith.constant 0 : i32
    %dma_wait3A_69 = tpu.memref_slice %arg4[%arg1, %dma_wait3A_67, %dma_wait3A_68] : memref<16x2x128xi32, #tpu.memory_space<hbm>> -> memref<1x2x128xi32, #tpu.memory_space<hbm>>
    %dma_wait3A_70 = tpu.memref_squeeze %dma_wait3A_69 : memref<1x2x128xi32, #tpu.memory_space<hbm>> -> memref<2x128xi32, #tpu.memory_space<hbm>>
    tpu.wait_dma2 semaphore(%arg18 : memref<!tpu.dma_semaphore, #tpu.memory_space<semaphore_mem>>) src(%dma_wait3A_70 : memref<2x128xi32, #tpu.memory_space<hbm>>) dst(%arg9 : memref<2x128xi32, #tpu.memory_space<vmem>>)
    %dma_start3A_71 = arith.constant 0 : i32
    %dma_start3A_72 = arith.constant 0 : i32
    %dma_start3A_73 = arith.constant 0 : i32
    %dma_start3A_74 = tpu.memref_slice %arg12[%dma_start3A_72, %dma_start3A_73] : memref<256x16xf32, #tpu.memory_space<vmem>> -> memref<128x16xf32, #tpu.memory_space<vmem>>
    %dma_start3A_75 = arith.constant 0 : i32
    %dma_start3A_76 = tpu.memref_slice %arg9[%dma_start3A_71, %dma_start3A_75] : memref<2x128xi32, #tpu.memory_space<vmem>> -> memref<1x128xi32, #tpu.memory_space<vmem>>
    %dma_start3A_77 = tpu.memref_squeeze %dma_start3A_76 : memref<1x128xi32, #tpu.memory_space<vmem>> -> memref<128xi32, #tpu.memory_space<vmem>>
    %dma_start3A_78 = arith.constant 0 : i32
    %dma_start3A_79 = arith.constant 0 : i32
    %dma_start3A_80 = tpu.memref_slice %arg2[%dma_start3A_78, %dma_start3A_79] : memref<65536x16xf32, #tpu.memory_space<hbm>> -> memref<65536x16xf32, #tpu.memory_space<hbm>>
    tpu.enqueue_indirect_dma source(%dma_start3A_80 : memref<65536x16xf32, #tpu.memory_space<hbm>>) target(%dma_start3A_74 : memref<128x16xf32, #tpu.memory_space<vmem>>) offsets(%dma_start3A_77 : memref<128xi32, #tpu.memory_space<vmem>>) semaphore(%arg20 : memref<!tpu.dma_semaphore, #tpu.memory_space<semaphore_mem>>)
    %dma_start3A_81 = arith.constant 1 : i32
    %dma_start3A_82 = arith.constant 128 : i32
    %dma_start3A_83 = arith.constant 0 : i32
    %dma_start3A_84 = tpu.memref_slice %arg12[%dma_start3A_82, %dma_start3A_83] : memref<256x16xf32, #tpu.memory_space<vmem>> -> memref<128x16xf32, #tpu.memory_space<vmem>>
    %dma_start3A_85 = arith.constant 0 : i32
    %dma_start3A_86 = tpu.memref_slice %arg9[%dma_start3A_81, %dma_start3A_85] : memref<2x128xi32, #tpu.memory_space<vmem>> -> memref<1x128xi32, #tpu.memory_space<vmem>>
    %dma_start3A_87 = tpu.memref_squeeze %dma_start3A_86 : memref<1x128xi32, #tpu.memory_space<vmem>> -> memref<128xi32, #tpu.memory_space<vmem>>
    %dma_start3A_88 = arith.constant 0 : i32
    %dma_start3A_89 = arith.constant 0 : i32
    %dma_start3A_90 = tpu.memref_slice %arg2[%dma_start3A_88, %dma_start3A_89] : memref<65536x16xf32, #tpu.memory_space<hbm>> -> memref<65536x16xf32, #tpu.memory_space<hbm>>
    tpu.enqueue_indirect_dma source(%dma_start3A_90 : memref<65536x16xf32, #tpu.memory_space<hbm>>) target(%dma_start3A_84 : memref<128x16xf32, #tpu.memory_space<vmem>>) offsets(%dma_start3A_87 : memref<128xi32, #tpu.memory_space<vmem>>) semaphore(%arg21 : memref<!tpu.dma_semaphore, #tpu.memory_space<semaphore_mem>>)
    %dma_wait3A_91 = arith.constant 0 : i32
    %dma_wait3A_92 = arith.constant 0 : i32
    %dma_wait3A_93 = tpu.memref_slice %arg5[%arg1, %dma_wait3A_91, %dma_wait3A_92] : memref<16x2x128xi32, #tpu.memory_space<hbm>> -> memref<1x2x128xi32, #tpu.memory_space<hbm>>
    %dma_wait3A_94 = tpu.memref_squeeze %dma_wait3A_93 : memref<1x2x128xi32, #tpu.memory_space<hbm>> -> memref<2x128xi32, #tpu.memory_space<hbm>>
    %dma_wait3A_95 = arith.constant 0 : i32
    %dma_wait3A_96 = arith.constant 0 : i32
    %dma_wait3A_97 = tpu.memref_slice %arg5[%arg1, %dma_wait3A_95, %dma_wait3A_96] : memref<16x2x128xi32, #tpu.memory_space<hbm>> -> memref<1x2x128xi32, #tpu.memory_space<hbm>>
    %dma_wait3A_98 = tpu.memref_squeeze %dma_wait3A_97 : memref<1x2x128xi32, #tpu.memory_space<hbm>> -> memref<2x128xi32, #tpu.memory_space<hbm>>
    tpu.wait_dma2 semaphore(%arg18 : memref<!tpu.dma_semaphore, #tpu.memory_space<semaphore_mem>>) src(%dma_wait3A_98 : memref<2x128xi32, #tpu.memory_space<hbm>>) dst(%arg10 : memref<2x128xi32, #tpu.memory_space<vmem>>)
    %dma_wait3A_99 = arith.constant 0 : i32
    %dma_wait3A_100 = arith.constant 0 : i32
    %dma_wait3A_101 = arith.constant 0 : i32
    %dma_wait3A_102 = tpu.memref_slice %arg6[%arg1, %dma_wait3A_99, %dma_wait3A_100, %dma_wait3A_101] : memref<16x2x2x128xf32, #tpu.memory_space<hbm>> -> memref<1x2x2x128xf32, #tpu.memory_space<hbm>>
    %dma_wait3A_103 = tpu.memref_squeeze %dma_wait3A_102 : memref<1x2x2x128xf32, #tpu.memory_space<hbm>> -> memref<2x2x128xf32, #tpu.memory_space<hbm>>
    %dma_wait3A_104 = arith.constant 0 : i32
    %dma_wait3A_105 = arith.constant 0 : i32
    %dma_wait3A_106 = arith.constant 0 : i32
    %dma_wait3A_107 = tpu.memref_slice %arg6[%arg1, %dma_wait3A_104, %dma_wait3A_105, %dma_wait3A_106] : memref<16x2x2x128xf32, #tpu.memory_space<hbm>> -> memref<1x2x2x128xf32, #tpu.memory_space<hbm>>
    %dma_wait3A_108 = tpu.memref_squeeze %dma_wait3A_107 : memref<1x2x2x128xf32, #tpu.memory_space<hbm>> -> memref<2x2x128xf32, #tpu.memory_space<hbm>>
    tpu.wait_dma2 semaphore(%arg19 : memref<!tpu.dma_semaphore, #tpu.memory_space<semaphore_mem>>) src(%dma_wait3A_108 : memref<2x2x128xf32, #tpu.memory_space<hbm>>) dst(%arg13 : memref<2x2x128xf32, #tpu.memory_space<vmem>>)
    %broadcast_in_dim3A = arith.constant 0.000000e+00 : f32
    %broadcast_in_dim3A_109 = vector.broadcast %broadcast_in_dim3A : f32 to vector<16xf32>
    %dma_wait3A_110 = arith.constant 0 : i32
    %dma_wait3A_111 = arith.constant 0 : i32
    %dma_wait3A_112 = arith.constant 0 : i32
    %dma_wait3A_113 = tpu.memref_slice %arg11[%dma_wait3A_111, %dma_wait3A_112] : memref<256x16xf32, #tpu.memory_space<vmem>> -> memref<128x16xf32, #tpu.memory_space<vmem>>
    %dma_wait3A_114 = arith.constant 0 : i32
    %dma_wait3A_115 = tpu.memref_slice %arg8[%dma_wait3A_110, %dma_wait3A_114] : memref<2x128xi32, #tpu.memory_space<vmem>> -> memref<1x128xi32, #tpu.memory_space<vmem>>
    %dma_wait3A_116 = tpu.memref_squeeze %dma_wait3A_115 : memref<1x128xi32, #tpu.memory_space<vmem>> -> memref<128xi32, #tpu.memory_space<vmem>>
    %dma_wait3A_117 = arith.constant 0 : i32
    %dma_wait3A_118 = arith.constant 0 : i32
    %dma_wait3A_119 = tpu.memref_slice %arg2[%dma_wait3A_117, %dma_wait3A_118] : memref<65536x16xf32, #tpu.memory_space<hbm>> -> memref<65536x16xf32, #tpu.memory_space<hbm>>
    tpu.wait_indirect_dma semaphore(%arg20 : memref<!tpu.dma_semaphore, #tpu.memory_space<semaphore_mem>>) src(%dma_wait3A_119 : memref<65536x16xf32, #tpu.memory_space<hbm>>) dst(%dma_wait3A_113 : memref<128x16xf32, #tpu.memory_space<vmem>>)
    %dma_wait3A_120 = arith.constant 0 : i32
    %dma_wait3A_121 = arith.constant 0 : i32
    %dma_wait3A_122 = arith.constant 0 : i32
    %dma_wait3A_123 = tpu.memref_slice %arg12[%dma_wait3A_121, %dma_wait3A_122] : memref<256x16xf32, #tpu.memory_space<vmem>> -> memref<128x16xf32, #tpu.memory_space<vmem>>
    %dma_wait3A_124 = arith.constant 0 : i32
    %dma_wait3A_125 = tpu.memref_slice %arg9[%dma_wait3A_120, %dma_wait3A_124] : memref<2x128xi32, #tpu.memory_space<vmem>> -> memref<1x128xi32, #tpu.memory_space<vmem>>
    %dma_wait3A_126 = tpu.memref_squeeze %dma_wait3A_125 : memref<1x128xi32, #tpu.memory_space<vmem>> -> memref<128xi32, #tpu.memory_space<vmem>>
    %dma_wait3A_127 = arith.constant 0 : i32
    %dma_wait3A_128 = arith.constant 0 : i32
    %dma_wait3A_129 = tpu.memref_slice %arg2[%dma_wait3A_127, %dma_wait3A_128] : memref<65536x16xf32, #tpu.memory_space<hbm>> -> memref<65536x16xf32, #tpu.memory_space<hbm>>
    tpu.wait_indirect_dma semaphore(%arg20 : memref<!tpu.dma_semaphore, #tpu.memory_space<semaphore_mem>>) src(%dma_wait3A_129 : memref<65536x16xf32, #tpu.memory_space<hbm>>) dst(%dma_wait3A_123 : memref<128x16xf32, #tpu.memory_space<vmem>>)
    %get3A = arith.constant 0 : i32
    %get3A_130 = arith.index_cast %get3A : i32 to index
    %get3A_131 = arith.constant 0 : index
    %get3A_132 = tpu.vector_load %arg10[%get3A_130, %get3A_131] {strides = array<i32>} : memref<2x128xi32, #tpu.memory_space<vmem>>, vector<16xi32>,
    %add3A = arith.constant 0 : i32
    %add3A_133 = vector.broadcast %add3A : i32 to vector<16xi32>
    %add3A_134 = arith.addi %iota3A, %add3A_133 : vector<16xi32>
    %gather3A = tpu.vector_load_idx %arg11[%add3A_134, %get3A_132] : memref<256x16xf32, #tpu.memory_space<vmem>>[vector<16xi32>, vector<16xi32>], vector<16xf32>,
    %gather3A_135 = tpu.vector_load_idx %arg12[%add3A_134, %get3A_132] : memref<256x16xf32, #tpu.memory_space<vmem>>[vector<16xi32>, vector<16xi32>], vector<16xf32>,
    %get3A_136 = arith.constant 0 : i32
    %get3A_137 = arith.constant 0 : i32
    %get3A_138 = arith.index_cast %get3A_136 : i32 to index
    %get3A_139 = arith.index_cast %get3A_137 : i32 to index
    %get3A_140 = arith.constant 0 : index
    %get3A_141 = tpu.vector_load %arg13[%get3A_138, %get3A_139, %get3A_140] {strides = array<i32>} : memref<2x2x128xf32, #tpu.memory_space<vmem>>, vector<16xf32>,
    %get3A_142 = arith.constant 0 : i32
    %get3A_143 = arith.constant 1 : i32
    %get3A_144 = arith.index_cast %get3A_142 : i32 to index
    %get3A_145 = arith.index_cast %get3A_143 : i32 to index
    %get3A_146 = arith.constant 0 : index
    %get3A_147 = tpu.vector_load %arg13[%get3A_144, %get3A_145, %get3A_146] {strides = array<i32>} : memref<2x2x128xf32, #tpu.memory_space<vmem>>, vector<16xf32>,
    %add3A_148 = arith.constant 9.99999974E-5 : f32
    %add3A_149 = vector.broadcast %add3A_148 : f32 to vector<16xf32>
    %add3A_150 = arith.addf %get3A_141, %add3A_149 : vector<16xf32>
    %div3A = arith.divf %gather3A, %add3A_150 : vector<16xf32>
    %sub3A = arith.constant 1.000000e+00 : f32
    %sub3A_151 = vector.broadcast %sub3A : f32 to vector<16xf32>
    %sub3A_152 = arith.subf %div3A, %sub3A_151 : vector<16xf32>
    %abs3A = math.absf %sub3A_152 : vector<16xf32>
    %add3A_153 = arith.addf %broadcast_in_dim3A_109, %abs3A : vector<16xf32>
    %add3A_154 = arith.constant 9.99999974E-5 : f32
    %add3A_155 = vector.broadcast %add3A_154 : f32 to vector<16xf32>
    %add3A_156 = arith.addf %get3A_147, %add3A_155 : vector<16xf32>
    %div3A_157 = arith.divf %gather3A_135, %add3A_156 : vector<16xf32>
    %sub3A_158 = arith.constant 1.000000e+00 : f32
    %sub3A_159 = vector.broadcast %sub3A_158 : f32 to vector<16xf32>
    %sub3A_160 = arith.subf %div3A_157, %sub3A_159 : vector<16xf32>
    %abs3A_161 = math.absf %sub3A_160 : vector<16xf32>
    %add3A_162 = arith.addf %add3A_153, %abs3A_161 : vector<16xf32>
    %get3A_163 = arith.constant 0 : i32
    %get3A_164 = arith.index_cast %get3A_163 : i32 to index
    %get3A_165 = arith.constant 16 : index
    %get3A_166 = tpu.vector_load %arg10[%get3A_164, %get3A_165] {strides = array<i32>} : memref<2x128xi32, #tpu.memory_space<vmem>>, vector<16xi32>,
    %add3A_167 = arith.constant 16 : i32
    %add3A_168 = vector.broadcast %add3A_167 : i32 to vector<16xi32>
    %add3A_169 = arith.addi %iota3A, %add3A_168 : vector<16xi32>
    %gather3A_170 = tpu.vector_load_idx %arg11[%add3A_169, %get3A_166] : memref<256x16xf32, #tpu.memory_space<vmem>>[vector<16xi32>, vector<16xi32>], vector<16xf32>,
    %gather3A_171 = tpu.vector_load_idx %arg12[%add3A_169, %get3A_166] : memref<256x16xf32, #tpu.memory_space<vmem>>[vector<16xi32>, vector<16xi32>], vector<16xf32>,
    %get3A_172 = arith.constant 0 : i32
    %get3A_173 = arith.constant 0 : i32
    %get3A_174 = arith.index_cast %get3A_172 : i32 to index
    %get3A_175 = arith.index_cast %get3A_173 : i32 to index
    %get3A_176 = arith.constant 16 : index
    %get3A_177 = tpu.vector_load %arg13[%get3A_174, %get3A_175, %get3A_176] {strides = array<i32>} : memref<2x2x128xf32, #tpu.memory_space<vmem>>, vector<16xf32>,
    %get3A_178 = arith.constant 0 : i32
    %get3A_179 = arith.constant 1 : i32
    %get3A_180 = arith.index_cast %get3A_178 : i32 to index
    %get3A_181 = arith.index_cast %get3A_179 : i32 to index
    %get3A_182 = arith.constant 16 : index
    %get3A_183 = tpu.vector_load %arg13[%get3A_180, %get3A_181, %get3A_182] {strides = array<i32>} : memref<2x2x128xf32, #tpu.memory_space<vmem>>, vector<16xf32>,
    %add3A_184 = arith.constant 9.99999974E-5 : f32
    %add3A_185 = vector.broadcast %add3A_184 : f32 to vector<16xf32>
    %add3A_186 = arith.addf %get3A_177, %add3A_185 : vector<16xf32>
    %div3A_187 = arith.divf %gather3A_170, %add3A_186 : vector<16xf32>
    %sub3A_188 = arith.constant 1.000000e+00 : f32
    %sub3A_189 = vector.broadcast %sub3A_188 : f32 to vector<16xf32>
    %sub3A_190 = arith.subf %div3A_187, %sub3A_189 : vector<16xf32>
    %abs3A_191 = math.absf %sub3A_190 : vector<16xf32>
    %add3A_192 = arith.addf %add3A_162, %abs3A_191 : vector<16xf32>
    %add3A_193 = arith.constant 9.99999974E-5 : f32
    %add3A_194 = vector.broadcast %add3A_193 : f32 to vector<16xf32>
    %add3A_195 = arith.addf %get3A_183, %add3A_194 : vector<16xf32>
    %div3A_196 = arith.divf %gather3A_171, %add3A_195 : vector<16xf32>
    %sub3A_197 = arith.constant 1.000000e+00 : f32
    %sub3A_198 = vector.broadcast %sub3A_197 : f32 to vector<16xf32>
    %sub3A_199 = arith.subf %div3A_196, %sub3A_198 : vector<16xf32>
    %abs3A_200 = math.absf %sub3A_199 : vector<16xf32>
    %add3A_201 = arith.addf %add3A_192, %abs3A_200 : vector<16xf32>
    %get3A_202 = arith.constant 0 : i32
    %get3A_203 = arith.index_cast %get3A_202 : i32 to index
    %get3A_204 = arith.constant 32 : index
    %get3A_205 = tpu.vector_load %arg10[%get3A_203, %get3A_204] {strides = array<i32>} : memref<2x128xi32, #tpu.memory_space<vmem>>, vector<16xi32>,
    %add3A_206 = arith.constant 32 : i32
    %add3A_207 = vector.broadcast %add3A_206 : i32 to vector<16xi32>
    %add3A_208 = arith.addi %iota3A, %add3A_207 : vector<16xi32>
    %gather3A_209 = tpu.vector_load_idx %arg11[%add3A_208, %get3A_205] : memref<256x16xf32, #tpu.memory_space<vmem>>[vector<16xi32>, vector<16xi32>], vector<16xf32>,
    %gather3A_210 = tpu.vector_load_idx %arg12[%add3A_208, %get3A_205] : memref<256x16xf32, #tpu.memory_space<vmem>>[vector<16xi32>, vector<16xi32>], vector<16xf32>,
    %get3A_211 = arith.constant 0 : i32
    %get3A_212 = arith.constant 0 : i32
    %get3A_213 = arith.index_cast %get3A_211 : i32 to index
    %get3A_214 = arith.index_cast %get3A_212 : i32 to index
    %get3A_215 = arith.constant 32 : index
    %get3A_216 = tpu.vector_load %arg13[%get3A_213, %get3A_214, %get3A_215] {strides = array<i32>} : memref<2x2x128xf32, #tpu.memory_space<vmem>>, vector<16xf32>,
    %get3A_217 = arith.constant 0 : i32
    %get3A_218 = arith.constant 1 : i32
    %get3A_219 = arith.index_cast %get3A_217 : i32 to index
    %get3A_220 = arith.index_cast %get3A_218 : i32 to index
    %get3A_221 = arith.constant 32 : index
    %get3A_222 = tpu.vector_load %arg13[%get3A_219, %get3A_220, %get3A_221] {strides = array<i32>} : memref<2x2x128xf32, #tpu.memory_space<vmem>>, vector<16xf32>,
    %add3A_223 = arith.constant 9.99999974E-5 : f32
    %add3A_224 = vector.broadcast %add3A_223 : f32 to vector<16xf32>
    %add3A_225 = arith.addf %get3A_216, %add3A_224 : vector<16xf32>
    %div3A_226 = arith.divf %gather3A_209, %add3A_225 : vector<16xf32>
    %sub3A_227 = arith.constant 1.000000e+00 : f32
    %sub3A_228 = vector.broadcast %sub3A_227 : f32 to vector<16xf32>
    %sub3A_229 = arith.subf %div3A_226, %sub3A_228 : vector<16xf32>
    %abs3A_230 = math.absf %sub3A_229 : vector<16xf32>
    %add3A_231 = arith.addf %add3A_201, %abs3A_230 : vector<16xf32>
    %add3A_232 = arith.constant 9.99999974E-5 : f32
    %add3A_233 = vector.broadcast %add3A_232 : f32 to vector<16xf32>
    %add3A_234 = arith.addf %get3A_222, %add3A_233 : vector<16xf32>
    %div3A_235 = arith.divf %gather3A_210, %add3A_234 : vector<16xf32>
    %sub3A_236 = arith.constant 1.000000e+00 : f32
    %sub3A_237 = vector.broadcast %sub3A_236 : f32 to vector<16xf32>
    %sub3A_238 = arith.subf %div3A_235, %sub3A_237 : vector<16xf32>
    %abs3A_239 = math.absf %sub3A_238 : vector<16xf32>
    %add3A_240 = arith.addf %add3A_231, %abs3A_239 : vector<16xf32>
    %get3A_241 = arith.constant 0 : i32
    %get3A_242 = arith.index_cast %get3A_241 : i32 to index
    %get3A_243 = arith.constant 48 : index
    %get3A_244 = tpu.vector_load %arg10[%get3A_242, %get3A_243] {strides = array<i32>} : memref<2x128xi32, #tpu.memory_space<vmem>>, vector<16xi32>,
    %add3A_245 = arith.constant 48 : i32
    %add3A_246 = vector.broadcast %add3A_245 : i32 to vector<16xi32>
    %add3A_247 = arith.addi %iota3A, %add3A_246 : vector<16xi32>
    %gather3A_248 = tpu.vector_load_idx %arg11[%add3A_247, %get3A_244] : memref<256x16xf32, #tpu.memory_space<vmem>>[vector<16xi32>, vector<16xi32>], vector<16xf32>,
    %gather3A_249 = tpu.vector_load_idx %arg12[%add3A_247, %get3A_244] : memref<256x16xf32, #tpu.memory_space<vmem>>[vector<16xi32>, vector<16xi32>], vector<16xf32>,
    %get3A_250 = arith.constant 0 : i32
    %get3A_251 = arith.constant 0 : i32
    %get3A_252 = arith.index_cast %get3A_250 : i32 to index
    %get3A_253 = arith.index_cast %get3A_251 : i32 to index
    %get3A_254 = arith.constant 48 : index
    %get3A_255 = tpu.vector_load %arg13[%get3A_252, %get3A_253, %get3A_254] {strides = array<i32>} : memref<2x2x128xf32, #tpu.memory_space<vmem>>, vector<16xf32>,
    %get3A_256 = arith.constant 0 : i32
    %get3A_257 = arith.constant 1 : i32
    %get3A_258 = arith.index_cast %get3A_256 : i32 to index
    %get3A_259 = arith.index_cast %get3A_257 : i32 to index
    %get3A_260 = arith.constant 48 : index
    %get3A_261 = tpu.vector_load %arg13[%get3A_258, %get3A_259, %get3A_260] {strides = array<i32>} : memref<2x2x128xf32, #tpu.memory_space<vmem>>, vector<16xf32>,
    %add3A_262 = arith.constant 9.99999974E-5 : f32
    %add3A_263 = vector.broadcast %add3A_262 : f32 to vector<16xf32>
    %add3A_264 = arith.addf %get3A_255, %add3A_263 : vector<16xf32>
    %div3A_265 = arith.divf %gather3A_248, %add3A_264 : vector<16xf32>
    %sub3A_266 = arith.constant 1.000000e+00 : f32
    %sub3A_267 = vector.broadcast %sub3A_266 : f32 to vector<16xf32>
    %sub3A_268 = arith.subf %div3A_265, %sub3A_267 : vector<16xf32>
    %abs3A_269 = math.absf %sub3A_268 : vector<16xf32>
    %add3A_270 = arith.addf %add3A_240, %abs3A_269 : vector<16xf32>
    %add3A_271 = arith.constant 9.99999974E-5 : f32
    %add3A_272 = vector.broadcast %add3A_271 : f32 to vector<16xf32>
    %add3A_273 = arith.addf %get3A_261, %add3A_272 : vector<16xf32>
    %div3A_274 = arith.divf %gather3A_249, %add3A_273 : vector<16xf32>
    %sub3A_275 = arith.constant 1.000000e+00 : f32
    %sub3A_276 = vector.broadcast %sub3A_275 : f32 to vector<16xf32>
    %sub3A_277 = arith.subf %div3A_274, %sub3A_276 : vector<16xf32>
    %abs3A_278 = math.absf %sub3A_277 : vector<16xf32>
    %add3A_279 = arith.addf %add3A_270, %abs3A_278 : vector<16xf32>
    %get3A_280 = arith.constant 0 : i32
    %get3A_281 = arith.index_cast %get3A_280 : i32 to index
    %get3A_282 = arith.constant 64 : index
    %get3A_283 = tpu.vector_load %arg10[%get3A_281, %get3A_282] {strides = array<i32>} : memref<2x128xi32, #tpu.memory_space<vmem>>, vector<16xi32>,
    %add3A_284 = arith.constant 64 : i32
    %add3A_285 = vector.broadcast %add3A_284 : i32 to vector<16xi32>
    %add3A_286 = arith.addi %iota3A, %add3A_285 : vector<16xi32>
    %gather3A_287 = tpu.vector_load_idx %arg11[%add3A_286, %get3A_283] : memref<256x16xf32, #tpu.memory_space<vmem>>[vector<16xi32>, vector<16xi32>], vector<16xf32>,
    %gather3A_288 = tpu.vector_load_idx %arg12[%add3A_286, %get3A_283] : memref<256x16xf32, #tpu.memory_space<vmem>>[vector<16xi32>, vector<16xi32>], vector<16xf32>,
    %get3A_289 = arith.constant 0 : i32
    %get3A_290 = arith.constant 0 : i32
    %get3A_291 = arith.index_cast %get3A_289 : i32 to index
    %get3A_292 = arith.index_cast %get3A_290 : i32 to index
    %get3A_293 = arith.constant 64 : index
    %get3A_294 = tpu.vector_load %arg13[%get3A_291, %get3A_292, %get3A_293] {strides = array<i32>} : memref<2x2x128xf32, #tpu.memory_space<vmem>>, vector<16xf32>,
    %get3A_295 = arith.constant 0 : i32
    %get3A_296 = arith.constant 1 : i32
    %get3A_297 = arith.index_cast %get3A_295 : i32 to index
    %get3A_298 = arith.index_cast %get3A_296 : i32 to index
    %get3A_299 = arith.constant 64 : index
    %get3A_300 = tpu.vector_load %arg13[%get3A_297, %get3A_298, %get3A_299] {strides = array<i32>} : memref<2x2x128xf32, #tpu.memory_space<vmem>>, vector<16xf32>,
    %add3A_301 = arith.constant 9.99999974E-5 : f32
    %add3A_302 = vector.broadcast %add3A_301 : f32 to vector<16xf32>
    %add3A_303 = arith.addf %get3A_294, %add3A_302 : vector<16xf32>
    %div3A_304 = arith.divf %gather3A_287, %add3A_303 : vector<16xf32>
    %sub3A_305 = arith.constant 1.000000e+00 : f32
    %sub3A_306 = vector.broadcast %sub3A_305 : f32 to vector<16xf32>
    %sub3A_307 = arith.subf %div3A_304, %sub3A_306 : vector<16xf32>
    %abs3A_308 = math.absf %sub3A_307 : vector<16xf32>
    %add3A_309 = arith.addf %add3A_279, %abs3A_308 : vector<16xf32>
    %add3A_310 = arith.constant 9.99999974E-5 : f32
    %add3A_311 = vector.broadcast %add3A_310 : f32 to vector<16xf32>
    %add3A_312 = arith.addf %get3A_300, %add3A_311 : vector<16xf32>
    %div3A_313 = arith.divf %gather3A_288, %add3A_312 : vector<16xf32>
    %sub3A_314 = arith.constant 1.000000e+00 : f32
    %sub3A_315 = vector.broadcast %sub3A_314 : f32 to vector<16xf32>
    %sub3A_316 = arith.subf %div3A_313, %sub3A_315 : vector<16xf32>
    %abs3A_317 = math.absf %sub3A_316 : vector<16xf32>
    %add3A_318 = arith.addf %add3A_309, %abs3A_317 : vector<16xf32>
    %get3A_319 = arith.constant 0 : i32
    %get3A_320 = arith.index_cast %get3A_319 : i32 to index
    %get3A_321 = arith.constant 80 : index
    %get3A_322 = tpu.vector_load %arg10[%get3A_320, %get3A_321] {strides = array<i32>} : memref<2x128xi32, #tpu.memory_space<vmem>>, vector<16xi32>,
    %add3A_323 = arith.constant 80 : i32
    %add3A_324 = vector.broadcast %add3A_323 : i32 to vector<16xi32>
    %add3A_325 = arith.addi %iota3A, %add3A_324 : vector<16xi32>
    %gather3A_326 = tpu.vector_load_idx %arg11[%add3A_325, %get3A_322] : memref<256x16xf32, #tpu.memory_space<vmem>>[vector<16xi32>, vector<16xi32>], vector<16xf32>,
    %gather3A_327 = tpu.vector_load_idx %arg12[%add3A_325, %get3A_322] : memref<256x16xf32, #tpu.memory_space<vmem>>[vector<16xi32>, vector<16xi32>], vector<16xf32>,
    %get3A_328 = arith.constant 0 : i32
    %get3A_329 = arith.constant 0 : i32
    %get3A_330 = arith.index_cast %get3A_328 : i32 to index
    %get3A_331 = arith.index_cast %get3A_329 : i32 to index
    %get3A_332 = arith.constant 80 : index
    %get3A_333 = tpu.vector_load %arg13[%get3A_330, %get3A_331, %get3A_332] {strides = array<i32>} : memref<2x2x128xf32, #tpu.memory_space<vmem>>, vector<16xf32>,
    %get3A_334 = arith.constant 0 : i32
    %get3A_335 = arith.constant 1 : i32
    %get3A_336 = arith.index_cast %get3A_334 : i32 to index
    %get3A_337 = arith.index_cast %get3A_335 : i32 to index
    %get3A_338 = arith.constant 80 : index
    %get3A_339 = tpu.vector_load %arg13[%get3A_336, %get3A_337, %get3A_338] {strides = array<i32>} : memref<2x2x128xf32, #tpu.memory_space<vmem>>, vector<16xf32>,
    %add3A_340 = arith.constant 9.99999974E-5 : f32
    %add3A_341 = vector.broadcast %add3A_340 : f32 to vector<16xf32>
    %add3A_342 = arith.addf %get3A_333, %add3A_341 : vector<16xf32>
    %div3A_343 = arith.divf %gather3A_326, %add3A_342 : vector<16xf32>
    %sub3A_344 = arith.constant 1.000000e+00 : f32
    %sub3A_345 = vector.broadcast %sub3A_344 : f32 to vector<16xf32>
    %sub3A_346 = arith.subf %div3A_343, %sub3A_345 : vector<16xf32>
    %abs3A_347 = math.absf %sub3A_346 : vector<16xf32>
    %add3A_348 = arith.addf %add3A_318, %abs3A_347 : vector<16xf32>
    %add3A_349 = arith.constant 9.99999974E-5 : f32
    %add3A_350 = vector.broadcast %add3A_349 : f32 to vector<16xf32>
    %add3A_351 = arith.addf %get3A_339, %add3A_350 : vector<16xf32>
    %div3A_352 = arith.divf %gather3A_327, %add3A_351 : vector<16xf32>
    %sub3A_353 = arith.constant 1.000000e+00 : f32
    %sub3A_354 = vector.broadcast %sub3A_353 : f32 to vector<16xf32>
    %sub3A_355 = arith.subf %div3A_352, %sub3A_354 : vector<16xf32>
    %abs3A_356 = math.absf %sub3A_355 : vector<16xf32>
    %add3A_357 = arith.addf %add3A_348, %abs3A_356 : vector<16xf32>
    %get3A_358 = arith.constant 0 : i32
    %get3A_359 = arith.index_cast %get3A_358 : i32 to index
    %get3A_360 = arith.constant 96 : index
    %get3A_361 = tpu.vector_load %arg10[%get3A_359, %get3A_360] {strides = array<i32>} : memref<2x128xi32, #tpu.memory_space<vmem>>, vector<16xi32>,
    %add3A_362 = arith.constant 96 : i32
    %add3A_363 = vector.broadcast %add3A_362 : i32 to vector<16xi32>
    %add3A_364 = arith.addi %iota3A, %add3A_363 : vector<16xi32>
    %gather3A_365 = tpu.vector_load_idx %arg11[%add3A_364, %get3A_361] : memref<256x16xf32, #tpu.memory_space<vmem>>[vector<16xi32>, vector<16xi32>], vector<16xf32>,
    %gather3A_366 = tpu.vector_load_idx %arg12[%add3A_364, %get3A_361] : memref<256x16xf32, #tpu.memory_space<vmem>>[vector<16xi32>, vector<16xi32>], vector<16xf32>,
    %get3A_367 = arith.constant 0 : i32
    %get3A_368 = arith.constant 0 : i32
    %get3A_369 = arith.index_cast %get3A_367 : i32 to index
    %get3A_370 = arith.index_cast %get3A_368 : i32 to index
    %get3A_371 = arith.constant 96 : index
    %get3A_372 = tpu.vector_load %arg13[%get3A_369, %get3A_370, %get3A_371] {strides = array<i32>} : memref<2x2x128xf32, #tpu.memory_space<vmem>>, vector<16xf32>,
    %get3A_373 = arith.constant 0 : i32
    %get3A_374 = arith.constant 1 : i32
    %get3A_375 = arith.index_cast %get3A_373 : i32 to index
    %get3A_376 = arith.index_cast %get3A_374 : i32 to index
    %get3A_377 = arith.constant 96 : index
    %get3A_378 = tpu.vector_load %arg13[%get3A_375, %get3A_376, %get3A_377] {strides = array<i32>} : memref<2x2x128xf32, #tpu.memory_space<vmem>>, vector<16xf32>,
    %add3A_379 = arith.constant 9.99999974E-5 : f32
    %add3A_380 = vector.broadcast %add3A_379 : f32 to vector<16xf32>
    %add3A_381 = arith.addf %get3A_372, %add3A_380 : vector<16xf32>
    %div3A_382 = arith.divf %gather3A_365, %add3A_381 : vector<16xf32>
    %sub3A_383 = arith.constant 1.000000e+00 : f32
    %sub3A_384 = vector.broadcast %sub3A_383 : f32 to vector<16xf32>
    %sub3A_385 = arith.subf %div3A_382, %sub3A_384 : vector<16xf32>
    %abs3A_386 = math.absf %sub3A_385 : vector<16xf32>
    %add3A_387 = arith.addf %add3A_357, %abs3A_386 : vector<16xf32>
    %add3A_388 = arith.constant 9.99999974E-5 : f32
    %add3A_389 = vector.broadcast %add3A_388 : f32 to vector<16xf32>
    %add3A_390 = arith.addf %get3A_378, %add3A_389 : vector<16xf32>
    %div3A_391 = arith.divf %gather3A_366, %add3A_390 : vector<16xf32>
    %sub3A_392 = arith.constant 1.000000e+00 : f32
    %sub3A_393 = vector.broadcast %sub3A_392 : f32 to vector<16xf32>
    %sub3A_394 = arith.subf %div3A_391, %sub3A_393 : vector<16xf32>
    %abs3A_395 = math.absf %sub3A_394 : vector<16xf32>
    %add3A_396 = arith.addf %add3A_387, %abs3A_395 : vector<16xf32>
    %get3A_397 = arith.constant 0 : i32
    %get3A_398 = arith.index_cast %get3A_397 : i32 to index
    %get3A_399 = arith.constant 112 : index
    %get3A_400 = tpu.vector_load %arg10[%get3A_398, %get3A_399] {strides = array<i32>} : memref<2x128xi32, #tpu.memory_space<vmem>>, vector<16xi32>,
    %add3A_401 = arith.constant 112 : i32
    %add3A_402 = vector.broadcast %add3A_401 : i32 to vector<16xi32>
    %add3A_403 = arith.addi %iota3A, %add3A_402 : vector<16xi32>
    %gather3A_404 = tpu.vector_load_idx %arg11[%add3A_403, %get3A_400] : memref<256x16xf32, #tpu.memory_space<vmem>>[vector<16xi32>, vector<16xi32>], vector<16xf32>,
    %gather3A_405 = tpu.vector_load_idx %arg12[%add3A_403, %get3A_400] : memref<256x16xf32, #tpu.memory_space<vmem>>[vector<16xi32>, vector<16xi32>], vector<16xf32>,
    %get3A_406 = arith.constant 0 : i32
    %get3A_407 = arith.constant 0 : i32
    %get3A_408 = arith.index_cast %get3A_406 : i32 to index
    %get3A_409 = arith.index_cast %get3A_407 : i32 to index
    %get3A_410 = arith.constant 112 : index
    %get3A_411 = tpu.vector_load %arg13[%get3A_408, %get3A_409, %get3A_410] {strides = array<i32>} : memref<2x2x128xf32, #tpu.memory_space<vmem>>, vector<16xf32>,
    %get3A_412 = arith.constant 0 : i32
    %get3A_413 = arith.constant 1 : i32
    %get3A_414 = arith.index_cast %get3A_412 : i32 to index
    %get3A_415 = arith.index_cast %get3A_413 : i32 to index
    %get3A_416 = arith.constant 112 : index
    %get3A_417 = tpu.vector_load %arg13[%get3A_414, %get3A_415, %get3A_416] {strides = array<i32>} : memref<2x2x128xf32, #tpu.memory_space<vmem>>, vector<16xf32>,
    %add3A_418 = arith.constant 9.99999974E-5 : f32
    %add3A_419 = vector.broadcast %add3A_418 : f32 to vector<16xf32>
    %add3A_420 = arith.addf %get3A_411, %add3A_419 : vector<16xf32>
    %div3A_421 = arith.divf %gather3A_404, %add3A_420 : vector<16xf32>
    %sub3A_422 = arith.constant 1.000000e+00 : f32
    %sub3A_423 = vector.broadcast %sub3A_422 : f32 to vector<16xf32>
    %sub3A_424 = arith.subf %div3A_421, %sub3A_423 : vector<16xf32>
    %abs3A_425 = math.absf %sub3A_424 : vector<16xf32>
    %add3A_426 = arith.addf %add3A_396, %abs3A_425 : vector<16xf32>
    %add3A_427 = arith.constant 9.99999974E-5 : f32
    %add3A_428 = vector.broadcast %add3A_427 : f32 to vector<16xf32>
    %add3A_429 = arith.addf %get3A_417, %add3A_428 : vector<16xf32>
    %div3A_430 = arith.divf %gather3A_405, %add3A_429 : vector<16xf32>
    %sub3A_431 = arith.constant 1.000000e+00 : f32
    %sub3A_432 = vector.broadcast %sub3A_431 : f32 to vector<16xf32>
    %sub3A_433 = arith.subf %div3A_430, %sub3A_432 : vector<16xf32>
    %abs3A_434 = math.absf %sub3A_433 : vector<16xf32>
    %add3A_435 = arith.addf %add3A_426, %abs3A_434 : vector<16xf32>
    %dma_wait3A_436 = arith.constant 1 : i32
    %dma_wait3A_437 = arith.constant 128 : i32
    %dma_wait3A_438 = arith.constant 0 : i32
    %dma_wait3A_439 = tpu.memref_slice %arg11[%dma_wait3A_437, %dma_wait3A_438] : memref<256x16xf32, #tpu.memory_space<vmem>> -> memref<128x16xf32, #tpu.memory_space<vmem>>
    %dma_wait3A_440 = arith.constant 0 : i32
    %dma_wait3A_441 = tpu.memref_slice %arg8[%dma_wait3A_436, %dma_wait3A_440] : memref<2x128xi32, #tpu.memory_space<vmem>> -> memref<1x128xi32, #tpu.memory_space<vmem>>
    %dma_wait3A_442 = tpu.memref_squeeze %dma_wait3A_441 : memref<1x128xi32, #tpu.memory_space<vmem>> -> memref<128xi32, #tpu.memory_space<vmem>>
    %dma_wait3A_443 = arith.constant 0 : i32
    %dma_wait3A_444 = arith.constant 0 : i32
    %dma_wait3A_445 = tpu.memref_slice %arg2[%dma_wait3A_443, %dma_wait3A_444] : memref<65536x16xf32, #tpu.memory_space<hbm>> -> memref<65536x16xf32, #tpu.memory_space<hbm>>
    tpu.wait_indirect_dma semaphore(%arg21 : memref<!tpu.dma_semaphore, #tpu.memory_space<semaphore_mem>>) src(%dma_wait3A_445 : memref<65536x16xf32, #tpu.memory_space<hbm>>) dst(%dma_wait3A_439 : memref<128x16xf32, #tpu.memory_space<vmem>>)
    %dma_wait3A_446 = arith.constant 1 : i32
    %dma_wait3A_447 = arith.constant 128 : i32
    %dma_wait3A_448 = arith.constant 0 : i32
    %dma_wait3A_449 = tpu.memref_slice %arg12[%dma_wait3A_447, %dma_wait3A_448] : memref<256x16xf32, #tpu.memory_space<vmem>> -> memref<128x16xf32, #tpu.memory_space<vmem>>
    %dma_wait3A_450 = arith.constant 0 : i32
    %dma_wait3A_451 = tpu.memref_slice %arg9[%dma_wait3A_446, %dma_wait3A_450] : memref<2x128xi32, #tpu.memory_space<vmem>> -> memref<1x128xi32, #tpu.memory_space<vmem>>
    %dma_wait3A_452 = tpu.memref_squeeze %dma_wait3A_451 : memref<1x128xi32, #tpu.memory_space<vmem>> -> memref<128xi32, #tpu.memory_space<vmem>>
    %dma_wait3A_453 = arith.constant 0 : i32
    %dma_wait3A_454 = arith.constant 0 : i32
    %dma_wait3A_455 = tpu.memref_slice %arg2[%dma_wait3A_453, %dma_wait3A_454] : memref<65536x16xf32, #tpu.memory_space<hbm>> -> memref<65536x16xf32, #tpu.memory_space<hbm>>
    tpu.wait_indirect_dma semaphore(%arg21 : memref<!tpu.dma_semaphore, #tpu.memory_space<semaphore_mem>>) src(%dma_wait3A_455 : memref<65536x16xf32, #tpu.memory_space<hbm>>) dst(%dma_wait3A_449 : memref<128x16xf32, #tpu.memory_space<vmem>>)
    %get3A_456 = arith.constant 1 : i32
    %get3A_457 = arith.index_cast %get3A_456 : i32 to index
    %get3A_458 = arith.constant 0 : index
    %get3A_459 = tpu.vector_load %arg10[%get3A_457, %get3A_458] {strides = array<i32>} : memref<2x128xi32, #tpu.memory_space<vmem>>, vector<16xi32>,
    %add3A_460 = arith.constant 128 : i32
    %add3A_461 = vector.broadcast %add3A_460 : i32 to vector<16xi32>
    %add3A_462 = arith.addi %iota3A, %add3A_461 : vector<16xi32>
    %gather3A_463 = tpu.vector_load_idx %arg11[%add3A_462, %get3A_459] : memref<256x16xf32, #tpu.memory_space<vmem>>[vector<16xi32>, vector<16xi32>], vector<16xf32>,
    %gather3A_464 = tpu.vector_load_idx %arg12[%add3A_462, %get3A_459] : memref<256x16xf32, #tpu.memory_space<vmem>>[vector<16xi32>, vector<16xi32>], vector<16xf32>,
    %get3A_465 = arith.constant 1 : i32
    %get3A_466 = arith.constant 0 : i32
    %get3A_467 = arith.index_cast %get3A_465 : i32 to index
    %get3A_468 = arith.index_cast %get3A_466 : i32 to index
    %get3A_469 = arith.constant 0 : index
    %get3A_470 = tpu.vector_load %arg13[%get3A_467, %get3A_468, %get3A_469] {strides = array<i32>} : memref<2x2x128xf32, #tpu.memory_space<vmem>>, vector<16xf32>,
    %get3A_471 = arith.constant 1 : i32
    %get3A_472 = arith.constant 1 : i32
    %get3A_473 = arith.index_cast %get3A_471 : i32 to index
    %get3A_474 = arith.index_cast %get3A_472 : i32 to index
    %get3A_475 = arith.constant 0 : index
    %get3A_476 = tpu.vector_load %arg13[%get3A_473, %get3A_474, %get3A_475] {strides = array<i32>} : memref<2x2x128xf32, #tpu.memory_space<vmem>>, vector<16xf32>,
    %add3A_477 = arith.constant 9.99999974E-5 : f32
    %add3A_478 = vector.broadcast %add3A_477 : f32 to vector<16xf32>
    %add3A_479 = arith.addf %get3A_470, %add3A_478 : vector<16xf32>
    %div3A_480 = arith.divf %gather3A_463, %add3A_479 : vector<16xf32>
    %sub3A_481 = arith.constant 1.000000e+00 : f32
    %sub3A_482 = vector.broadcast %sub3A_481 : f32 to vector<16xf32>
    %sub3A_483 = arith.subf %div3A_480, %sub3A_482 : vector<16xf32>
    %abs3A_484 = math.absf %sub3A_483 : vector<16xf32>
    %add3A_485 = arith.addf %add3A_435, %abs3A_484 : vector<16xf32>
    %add3A_486 = arith.constant 9.99999974E-5 : f32
    %add3A_487 = vector.broadcast %add3A_486 : f32 to vector<16xf32>
    %add3A_488 = arith.addf %get3A_476, %add3A_487 : vector<16xf32>
    %div3A_489 = arith.divf %gather3A_464, %add3A_488 : vector<16xf32>
    %sub3A_490 = arith.constant 1.000000e+00 : f32
    %sub3A_491 = vector.broadcast %sub3A_490 : f32 to vector<16xf32>
    %sub3A_492 = arith.subf %div3A_489, %sub3A_491 : vector<16xf32>
    %abs3A_493 = math.absf %sub3A_492 : vector<16xf32>
    %add3A_494 = arith.addf %add3A_485, %abs3A_493 : vector<16xf32>
    %get3A_495 = arith.constant 1 : i32
    %get3A_496 = arith.index_cast %get3A_495 : i32 to index
    %get3A_497 = arith.constant 16 : index
    %get3A_498 = tpu.vector_load %arg10[%get3A_496, %get3A_497] {strides = array<i32>} : memref<2x128xi32, #tpu.memory_space<vmem>>, vector<16xi32>,
    %add3A_499 = arith.constant 144 : i32
    %add3A_500 = vector.broadcast %add3A_499 : i32 to vector<16xi32>
    %add3A_501 = arith.addi %iota3A, %add3A_500 : vector<16xi32>
    %gather3A_502 = tpu.vector_load_idx %arg11[%add3A_501, %get3A_498] : memref<256x16xf32, #tpu.memory_space<vmem>>[vector<16xi32>, vector<16xi32>], vector<16xf32>,
    %gather3A_503 = tpu.vector_load_idx %arg12[%add3A_501, %get3A_498] : memref<256x16xf32, #tpu.memory_space<vmem>>[vector<16xi32>, vector<16xi32>], vector<16xf32>,
    %get3A_504 = arith.constant 1 : i32
    %get3A_505 = arith.constant 0 : i32
    %get3A_506 = arith.index_cast %get3A_504 : i32 to index
    %get3A_507 = arith.index_cast %get3A_505 : i32 to index
    %get3A_508 = arith.constant 16 : index
    %get3A_509 = tpu.vector_load %arg13[%get3A_506, %get3A_507, %get3A_508] {strides = array<i32>} : memref<2x2x128xf32, #tpu.memory_space<vmem>>, vector<16xf32>,
    %get3A_510 = arith.constant 1 : i32
    %get3A_511 = arith.constant 1 : i32
    %get3A_512 = arith.index_cast %get3A_510 : i32 to index
    %get3A_513 = arith.index_cast %get3A_511 : i32 to index
    %get3A_514 = arith.constant 16 : index
    %get3A_515 = tpu.vector_load %arg13[%get3A_512, %get3A_513, %get3A_514] {strides = array<i32>} : memref<2x2x128xf32, #tpu.memory_space<vmem>>, vector<16xf32>,
    %add3A_516 = arith.constant 9.99999974E-5 : f32
    %add3A_517 = vector.broadcast %add3A_516 : f32 to vector<16xf32>
    %add3A_518 = arith.addf %get3A_509, %add3A_517 : vector<16xf32>
    %div3A_519 = arith.divf %gather3A_502, %add3A_518 : vector<16xf32>
    %sub3A_520 = arith.constant 1.000000e+00 : f32
    %sub3A_521 = vector.broadcast %sub3A_520 : f32 to vector<16xf32>
    %sub3A_522 = arith.subf %div3A_519, %sub3A_521 : vector<16xf32>
    %abs3A_523 = math.absf %sub3A_522 : vector<16xf32>
    %add3A_524 = arith.addf %add3A_494, %abs3A_523 : vector<16xf32>
    %add3A_525 = arith.constant 9.99999974E-5 : f32
    %add3A_526 = vector.broadcast %add3A_525 : f32 to vector<16xf32>
    %add3A_527 = arith.addf %get3A_515, %add3A_526 : vector<16xf32>
    %div3A_528 = arith.divf %gather3A_503, %add3A_527 : vector<16xf32>
    %sub3A_529 = arith.constant 1.000000e+00 : f32
    %sub3A_530 = vector.broadcast %sub3A_529 : f32 to vector<16xf32>
    %sub3A_531 = arith.subf %div3A_528, %sub3A_530 : vector<16xf32>
    %abs3A_532 = math.absf %sub3A_531 : vector<16xf32>
    %add3A_533 = arith.addf %add3A_524, %abs3A_532 : vector<16xf32>
    %get3A_534 = arith.constant 1 : i32
    %get3A_535 = arith.index_cast %get3A_534 : i32 to index
    %get3A_536 = arith.constant 32 : index
    %get3A_537 = tpu.vector_load %arg10[%get3A_535, %get3A_536] {strides = array<i32>} : memref<2x128xi32, #tpu.memory_space<vmem>>, vector<16xi32>,
    %add3A_538 = arith.constant 160 : i32
    %add3A_539 = vector.broadcast %add3A_538 : i32 to vector<16xi32>
    %add3A_540 = arith.addi %iota3A, %add3A_539 : vector<16xi32>
    %gather3A_541 = tpu.vector_load_idx %arg11[%add3A_540, %get3A_537] : memref<256x16xf32, #tpu.memory_space<vmem>>[vector<16xi32>, vector<16xi32>], vector<16xf32>,
    %gather3A_542 = tpu.vector_load_idx %arg12[%add3A_540, %get3A_537] : memref<256x16xf32, #tpu.memory_space<vmem>>[vector<16xi32>, vector<16xi32>], vector<16xf32>,
    %get3A_543 = arith.constant 1 : i32
    %get3A_544 = arith.constant 0 : i32
    %get3A_545 = arith.index_cast %get3A_543 : i32 to index
    %get3A_546 = arith.index_cast %get3A_544 : i32 to index
    %get3A_547 = arith.constant 32 : index
    %get3A_548 = tpu.vector_load %arg13[%get3A_545, %get3A_546, %get3A_547] {strides = array<i32>} : memref<2x2x128xf32, #tpu.memory_space<vmem>>, vector<16xf32>,
    %get3A_549 = arith.constant 1 : i32
    %get3A_550 = arith.constant 1 : i32
    %get3A_551 = arith.index_cast %get3A_549 : i32 to index
    %get3A_552 = arith.index_cast %get3A_550 : i32 to index
    %get3A_553 = arith.constant 32 : index
    %get3A_554 = tpu.vector_load %arg13[%get3A_551, %get3A_552, %get3A_553] {strides = array<i32>} : memref<2x2x128xf32, #tpu.memory_space<vmem>>, vector<16xf32>,
    %add3A_555 = arith.constant 9.99999974E-5 : f32
    %add3A_556 = vector.broadcast %add3A_555 : f32 to vector<16xf32>
    %add3A_557 = arith.addf %get3A_548, %add3A_556 : vector<16xf32>
    %div3A_558 = arith.divf %gather3A_541, %add3A_557 : vector<16xf32>
    %sub3A_559 = arith.constant 1.000000e+00 : f32
    %sub3A_560 = vector.broadcast %sub3A_559 : f32 to vector<16xf32>
    %sub3A_561 = arith.subf %div3A_558, %sub3A_560 : vector<16xf32>
    %abs3A_562 = math.absf %sub3A_561 : vector<16xf32>
    %add3A_563 = arith.addf %add3A_533, %abs3A_562 : vector<16xf32>
    %add3A_564 = arith.constant 9.99999974E-5 : f32
    %add3A_565 = vector.broadcast %add3A_564 : f32 to vector<16xf32>
    %add3A_566 = arith.addf %get3A_554, %add3A_565 : vector<16xf32>
    %div3A_567 = arith.divf %gather3A_542, %add3A_566 : vector<16xf32>
    %sub3A_568 = arith.constant 1.000000e+00 : f32
    %sub3A_569 = vector.broadcast %sub3A_568 : f32 to vector<16xf32>
    %sub3A_570 = arith.subf %div3A_567, %sub3A_569 : vector<16xf32>
    %abs3A_571 = math.absf %sub3A_570 : vector<16xf32>
    %add3A_572 = arith.addf %add3A_563, %abs3A_571 : vector<16xf32>
    %get3A_573 = arith.constant 1 : i32
    %get3A_574 = arith.index_cast %get3A_573 : i32 to index
    %get3A_575 = arith.constant 48 : index
    %get3A_576 = tpu.vector_load %arg10[%get3A_574, %get3A_575] {strides = array<i32>} : memref<2x128xi32, #tpu.memory_space<vmem>>, vector<16xi32>,
    %add3A_577 = arith.constant 176 : i32
    %add3A_578 = vector.broadcast %add3A_577 : i32 to vector<16xi32>
    %add3A_579 = arith.addi %iota3A, %add3A_578 : vector<16xi32>
    %gather3A_580 = tpu.vector_load_idx %arg11[%add3A_579, %get3A_576] : memref<256x16xf32, #tpu.memory_space<vmem>>[vector<16xi32>, vector<16xi32>], vector<16xf32>,
    %gather3A_581 = tpu.vector_load_idx %arg12[%add3A_579, %get3A_576] : memref<256x16xf32, #tpu.memory_space<vmem>>[vector<16xi32>, vector<16xi32>], vector<16xf32>,
    %get3A_582 = arith.constant 1 : i32
    %get3A_583 = arith.constant 0 : i32
    %get3A_584 = arith.index_cast %get3A_582 : i32 to index
    %get3A_585 = arith.index_cast %get3A_583 : i32 to index
    %get3A_586 = arith.constant 48 : index
    %get3A_587 = tpu.vector_load %arg13[%get3A_584, %get3A_585, %get3A_586] {strides = array<i32>} : memref<2x2x128xf32, #tpu.memory_space<vmem>>, vector<16xf32>,
    %get3A_588 = arith.constant 1 : i32
    %get3A_589 = arith.constant 1 : i32
    %get3A_590 = arith.index_cast %get3A_588 : i32 to index
    %get3A_591 = arith.index_cast %get3A_589 : i32 to index
    %get3A_592 = arith.constant 48 : index
    %get3A_593 = tpu.vector_load %arg13[%get3A_590, %get3A_591, %get3A_592] {strides = array<i32>} : memref<2x2x128xf32, #tpu.memory_space<vmem>>, vector<16xf32>,
    %add3A_594 = arith.constant 9.99999974E-5 : f32
    %add3A_595 = vector.broadcast %add3A_594 : f32 to vector<16xf32>
    %add3A_596 = arith.addf %get3A_587, %add3A_595 : vector<16xf32>
    %div3A_597 = arith.divf %gather3A_580, %add3A_596 : vector<16xf32>
    %sub3A_598 = arith.constant 1.000000e+00 : f32
    %sub3A_599 = vector.broadcast %sub3A_598 : f32 to vector<16xf32>
    %sub3A_600 = arith.subf %div3A_597, %sub3A_599 : vector<16xf32>
    %abs3A_601 = math.absf %sub3A_600 : vector<16xf32>
    %add3A_602 = arith.addf %add3A_572, %abs3A_601 : vector<16xf32>
    %add3A_603 = arith.constant 9.99999974E-5 : f32
    %add3A_604 = vector.broadcast %add3A_603 : f32 to vector<16xf32>
    %add3A_605 = arith.addf %get3A_593, %add3A_604 : vector<16xf32>
    %div3A_606 = arith.divf %gather3A_581, %add3A_605 : vector<16xf32>
    %sub3A_607 = arith.constant 1.000000e+00 : f32
    %sub3A_608 = vector.broadcast %sub3A_607 : f32 to vector<16xf32>
    %sub3A_609 = arith.subf %div3A_606, %sub3A_608 : vector<16xf32>
    %abs3A_610 = math.absf %sub3A_609 : vector<16xf32>
    %add3A_611 = arith.addf %add3A_602, %abs3A_610 : vector<16xf32>
    %get3A_612 = arith.constant 1 : i32
    %get3A_613 = arith.index_cast %get3A_612 : i32 to index
    %get3A_614 = arith.constant 64 : index
    %get3A_615 = tpu.vector_load %arg10[%get3A_613, %get3A_614] {strides = array<i32>} : memref<2x128xi32, #tpu.memory_space<vmem>>, vector<16xi32>,
    %add3A_616 = arith.constant 192 : i32
    %add3A_617 = vector.broadcast %add3A_616 : i32 to vector<16xi32>
    %add3A_618 = arith.addi %iota3A, %add3A_617 : vector<16xi32>
    %gather3A_619 = tpu.vector_load_idx %arg11[%add3A_618, %get3A_615] : memref<256x16xf32, #tpu.memory_space<vmem>>[vector<16xi32>, vector<16xi32>], vector<16xf32>,
    %gather3A_620 = tpu.vector_load_idx %arg12[%add3A_618, %get3A_615] : memref<256x16xf32, #tpu.memory_space<vmem>>[vector<16xi32>, vector<16xi32>], vector<16xf32>,
    %get3A_621 = arith.constant 1 : i32
    %get3A_622 = arith.constant 0 : i32
    %get3A_623 = arith.index_cast %get3A_621 : i32 to index
    %get3A_624 = arith.index_cast %get3A_622 : i32 to index
    %get3A_625 = arith.constant 64 : index
    %get3A_626 = tpu.vector_load %arg13[%get3A_623, %get3A_624, %get3A_625] {strides = array<i32>} : memref<2x2x128xf32, #tpu.memory_space<vmem>>, vector<16xf32>,
    %get3A_627 = arith.constant 1 : i32
    %get3A_628 = arith.constant 1 : i32
    %get3A_629 = arith.index_cast %get3A_627 : i32 to index
    %get3A_630 = arith.index_cast %get3A_628 : i32 to index
    %get3A_631 = arith.constant 64 : index
    %get3A_632 = tpu.vector_load %arg13[%get3A_629, %get3A_630, %get3A_631] {strides = array<i32>} : memref<2x2x128xf32, #tpu.memory_space<vmem>>, vector<16xf32>,
    %add3A_633 = arith.constant 9.99999974E-5 : f32
    %add3A_634 = vector.broadcast %add3A_633 : f32 to vector<16xf32>
    %add3A_635 = arith.addf %get3A_626, %add3A_634 : vector<16xf32>
    %div3A_636 = arith.divf %gather3A_619, %add3A_635 : vector<16xf32>
    %sub3A_637 = arith.constant 1.000000e+00 : f32
    %sub3A_638 = vector.broadcast %sub3A_637 : f32 to vector<16xf32>
    %sub3A_639 = arith.subf %div3A_636, %sub3A_638 : vector<16xf32>
    %abs3A_640 = math.absf %sub3A_639 : vector<16xf32>
    %add3A_641 = arith.addf %add3A_611, %abs3A_640 : vector<16xf32>
    %add3A_642 = arith.constant 9.99999974E-5 : f32
    %add3A_643 = vector.broadcast %add3A_642 : f32 to vector<16xf32>
    %add3A_644 = arith.addf %get3A_632, %add3A_643 : vector<16xf32>
    %div3A_645 = arith.divf %gather3A_620, %add3A_644 : vector<16xf32>
    %sub3A_646 = arith.constant 1.000000e+00 : f32
    %sub3A_647 = vector.broadcast %sub3A_646 : f32 to vector<16xf32>
    %sub3A_648 = arith.subf %div3A_645, %sub3A_647 : vector<16xf32>
    %abs3A_649 = math.absf %sub3A_648 : vector<16xf32>
    %add3A_650 = arith.addf %add3A_641, %abs3A_649 : vector<16xf32>
    %get3A_651 = arith.constant 1 : i32
    %get3A_652 = arith.index_cast %get3A_651 : i32 to index
    %get3A_653 = arith.constant 80 : index
    %get3A_654 = tpu.vector_load %arg10[%get3A_652, %get3A_653] {strides = array<i32>} : memref<2x128xi32, #tpu.memory_space<vmem>>, vector<16xi32>,
    %add3A_655 = arith.constant 208 : i32
    %add3A_656 = vector.broadcast %add3A_655 : i32 to vector<16xi32>
    %add3A_657 = arith.addi %iota3A, %add3A_656 : vector<16xi32>
    %gather3A_658 = tpu.vector_load_idx %arg11[%add3A_657, %get3A_654] : memref<256x16xf32, #tpu.memory_space<vmem>>[vector<16xi32>, vector<16xi32>], vector<16xf32>,
    %gather3A_659 = tpu.vector_load_idx %arg12[%add3A_657, %get3A_654] : memref<256x16xf32, #tpu.memory_space<vmem>>[vector<16xi32>, vector<16xi32>], vector<16xf32>,
    %get3A_660 = arith.constant 1 : i32
    %get3A_661 = arith.constant 0 : i32
    %get3A_662 = arith.index_cast %get3A_660 : i32 to index
    %get3A_663 = arith.index_cast %get3A_661 : i32 to index
    %get3A_664 = arith.constant 80 : index
    %get3A_665 = tpu.vector_load %arg13[%get3A_662, %get3A_663, %get3A_664] {strides = array<i32>} : memref<2x2x128xf32, #tpu.memory_space<vmem>>, vector<16xf32>,
    %get3A_666 = arith.constant 1 : i32
    %get3A_667 = arith.constant 1 : i32
    %get3A_668 = arith.index_cast %get3A_666 : i32 to index
    %get3A_669 = arith.index_cast %get3A_667 : i32 to index
    %get3A_670 = arith.constant 80 : index
    %get3A_671 = tpu.vector_load %arg13[%get3A_668, %get3A_669, %get3A_670] {strides = array<i32>} : memref<2x2x128xf32, #tpu.memory_space<vmem>>, vector<16xf32>,
    %add3A_672 = arith.constant 9.99999974E-5 : f32
    %add3A_673 = vector.broadcast %add3A_672 : f32 to vector<16xf32>
    %add3A_674 = arith.addf %get3A_665, %add3A_673 : vector<16xf32>
    %div3A_675 = arith.divf %gather3A_658, %add3A_674 : vector<16xf32>
    %sub3A_676 = arith.constant 1.000000e+00 : f32
    %sub3A_677 = vector.broadcast %sub3A_676 : f32 to vector<16xf32>
    %sub3A_678 = arith.subf %div3A_675, %sub3A_677 : vector<16xf32>
    %abs3A_679 = math.absf %sub3A_678 : vector<16xf32>
    %add3A_680 = arith.addf %add3A_650, %abs3A_679 : vector<16xf32>
    %add3A_681 = arith.constant 9.99999974E-5 : f32
    %add3A_682 = vector.broadcast %add3A_681 : f32 to vector<16xf32>
    %add3A_683 = arith.addf %get3A_671, %add3A_682 : vector<16xf32>
    %div3A_684 = arith.divf %gather3A_659, %add3A_683 : vector<16xf32>
    %sub3A_685 = arith.constant 1.000000e+00 : f32
    %sub3A_686 = vector.broadcast %sub3A_685 : f32 to vector<16xf32>
    %sub3A_687 = arith.subf %div3A_684, %sub3A_686 : vector<16xf32>
    %abs3A_688 = math.absf %sub3A_687 : vector<16xf32>
    %add3A_689 = arith.addf %add3A_680, %abs3A_688 : vector<16xf32>
    %get3A_690 = arith.constant 1 : i32
    %get3A_691 = arith.index_cast %get3A_690 : i32 to index
    %get3A_692 = arith.constant 96 : index
    %get3A_693 = tpu.vector_load %arg10[%get3A_691, %get3A_692] {strides = array<i32>} : memref<2x128xi32, #tpu.memory_space<vmem>>, vector<16xi32>,
    %add3A_694 = arith.constant 224 : i32
    %add3A_695 = vector.broadcast %add3A_694 : i32 to vector<16xi32>
    %add3A_696 = arith.addi %iota3A, %add3A_695 : vector<16xi32>
    %gather3A_697 = tpu.vector_load_idx %arg11[%add3A_696, %get3A_693] : memref<256x16xf32, #tpu.memory_space<vmem>>[vector<16xi32>, vector<16xi32>], vector<16xf32>,
    %gather3A_698 = tpu.vector_load_idx %arg12[%add3A_696, %get3A_693] : memref<256x16xf32, #tpu.memory_space<vmem>>[vector<16xi32>, vector<16xi32>], vector<16xf32>,
    %get3A_699 = arith.constant 1 : i32
    %get3A_700 = arith.constant 0 : i32
    %get3A_701 = arith.index_cast %get3A_699 : i32 to index
    %get3A_702 = arith.index_cast %get3A_700 : i32 to index
    %get3A_703 = arith.constant 96 : index
    %get3A_704 = tpu.vector_load %arg13[%get3A_701, %get3A_702, %get3A_703] {strides = array<i32>} : memref<2x2x128xf32, #tpu.memory_space<vmem>>, vector<16xf32>,
    %get3A_705 = arith.constant 1 : i32
    %get3A_706 = arith.constant 1 : i32
    %get3A_707 = arith.index_cast %get3A_705 : i32 to index
    %get3A_708 = arith.index_cast %get3A_706 : i32 to index
    %get3A_709 = arith.constant 96 : index
    %get3A_710 = tpu.vector_load %arg13[%get3A_707, %get3A_708, %get3A_709] {strides = array<i32>} : memref<2x2x128xf32, #tpu.memory_space<vmem>>, vector<16xf32>,
    %add3A_711 = arith.constant 9.99999974E-5 : f32
    %add3A_712 = vector.broadcast %add3A_711 : f32 to vector<16xf32>
    %add3A_713 = arith.addf %get3A_704, %add3A_712 : vector<16xf32>
    %div3A_714 = arith.divf %gather3A_697, %add3A_713 : vector<16xf32>
    %sub3A_715 = arith.constant 1.000000e+00 : f32
    %sub3A_716 = vector.broadcast %sub3A_715 : f32 to vector<16xf32>
    %sub3A_717 = arith.subf %div3A_714, %sub3A_716 : vector<16xf32>
    %abs3A_718 = math.absf %sub3A_717 : vector<16xf32>
    %add3A_719 = arith.addf %add3A_689, %abs3A_718 : vector<16xf32>
    %add3A_720 = arith.constant 9.99999974E-5 : f32
    %add3A_721 = vector.broadcast %add3A_720 : f32 to vector<16xf32>
    %add3A_722 = arith.addf %get3A_710, %add3A_721 : vector<16xf32>
    %div3A_723 = arith.divf %gather3A_698, %add3A_722 : vector<16xf32>
    %sub3A_724 = arith.constant 1.000000e+00 : f32
    %sub3A_725 = vector.broadcast %sub3A_724 : f32 to vector<16xf32>
    %sub3A_726 = arith.subf %div3A_723, %sub3A_725 : vector<16xf32>
    %abs3A_727 = math.absf %sub3A_726 : vector<16xf32>
    %add3A_728 = arith.addf %add3A_719, %abs3A_727 : vector<16xf32>
    %get3A_729 = arith.constant 1 : i32
    %get3A_730 = arith.index_cast %get3A_729 : i32 to index
    %get3A_731 = arith.constant 112 : index
    %get3A_732 = tpu.vector_load %arg10[%get3A_730, %get3A_731] {strides = array<i32>} : memref<2x128xi32, #tpu.memory_space<vmem>>, vector<16xi32>,
    %add3A_733 = arith.constant 240 : i32
    %add3A_734 = vector.broadcast %add3A_733 : i32 to vector<16xi32>
    %add3A_735 = arith.addi %iota3A, %add3A_734 : vector<16xi32>
    %gather3A_736 = tpu.vector_load_idx %arg11[%add3A_735, %get3A_732] : memref<256x16xf32, #tpu.memory_space<vmem>>[vector<16xi32>, vector<16xi32>], vector<16xf32>,
    %gather3A_737 = tpu.vector_load_idx %arg12[%add3A_735, %get3A_732] : memref<256x16xf32, #tpu.memory_space<vmem>>[vector<16xi32>, vector<16xi32>], vector<16xf32>,
    %get3A_738 = arith.constant 1 : i32
    %get3A_739 = arith.constant 0 : i32
    %get3A_740 = arith.index_cast %get3A_738 : i32 to index
    %get3A_741 = arith.index_cast %get3A_739 : i32 to index
    %get3A_742 = arith.constant 112 : index
    %get3A_743 = tpu.vector_load %arg13[%get3A_740, %get3A_741, %get3A_742] {strides = array<i32>} : memref<2x2x128xf32, #tpu.memory_space<vmem>>, vector<16xf32>,
    %get3A_744 = arith.constant 1 : i32
    %get3A_745 = arith.constant 1 : i32
    %get3A_746 = arith.index_cast %get3A_744 : i32 to index
    %get3A_747 = arith.index_cast %get3A_745 : i32 to index
    %get3A_748 = arith.constant 112 : index
    %get3A_749 = tpu.vector_load %arg13[%get3A_746, %get3A_747, %get3A_748] {strides = array<i32>} : memref<2x2x128xf32, #tpu.memory_space<vmem>>, vector<16xf32>,
    %add3A_750 = arith.constant 9.99999974E-5 : f32
    %add3A_751 = vector.broadcast %add3A_750 : f32 to vector<16xf32>
    %add3A_752 = arith.addf %get3A_743, %add3A_751 : vector<16xf32>
    %div3A_753 = arith.divf %gather3A_736, %add3A_752 : vector<16xf32>
    %sub3A_754 = arith.constant 1.000000e+00 : f32
    %sub3A_755 = vector.broadcast %sub3A_754 : f32 to vector<16xf32>
    %sub3A_756 = arith.subf %div3A_753, %sub3A_755 : vector<16xf32>
    %abs3A_757 = math.absf %sub3A_756 : vector<16xf32>
    %add3A_758 = arith.addf %add3A_728, %abs3A_757 : vector<16xf32>
    %add3A_759 = arith.constant 9.99999974E-5 : f32
    %add3A_760 = vector.broadcast %add3A_759 : f32 to vector<16xf32>
    %add3A_761 = arith.addf %get3A_749, %add3A_760 : vector<16xf32>
    %div3A_762 = arith.divf %gather3A_737, %add3A_761 : vector<16xf32>
    %sub3A_763 = arith.constant 1.000000e+00 : f32
    %sub3A_764 = vector.broadcast %sub3A_763 : f32 to vector<16xf32>
    %sub3A_765 = arith.subf %div3A_762, %sub3A_764 : vector<16xf32>
    %abs3A_766 = math.absf %sub3A_765 : vector<16xf32>
    %add3A_767 = arith.addf %add3A_758, %abs3A_766 : vector<16xf32>
    %swap3A_768 = arith.constant 0 : i32
    %swap3A_769 = arith.index_cast %swap3A_768 : i32 to index
    %swap3A_770 = arith.constant 0 : index
    %swap3A_771 = tpu.vector_load %arg14[%swap3A_769, %swap3A_770] {strides = array<i32>} : memref<1x16xf32, #tpu.memory_space<vmem>>, vector<16xf32>,
    tpu.vector_store %arg14[%swap3A_769, %swap3A_770], %add3A_767 {strides = array<i32>} : memref<1x16xf32, #tpu.memory_space<vmem>>, vector<16xf32>,
    "tpu.region"() ({
      %run_scoped3A = tpu.sem_alloc : memref<!tpu.dma_semaphore, #tpu.memory_space<semaphore_mem>>
      %dma_start3A_778 = arith.constant 0 : i32
      %dma_start3A_779 = tpu.memref_slice %arg15[%dma_start3A_778] : memref<16xi32, #tpu.memory_space<vmem>> -> memref<1xi32, #tpu.memory_space<vmem>>
      %dma_start3A_780 = arith.constant 0 : i32
      %dma_start3A_781 = arith.constant 0 : i32
      %dma_start3A_782 = tpu.memref_slice %arg17[%dma_start3A_780, %dma_start3A_781] : memref<1x16xf32, #tpu.memory_space<vmem_shared>> -> memref<1x16xf32, #tpu.memory_space<vmem_shared>>
      tpu.enqueue_indirect_dma source(%arg14 : memref<1x16xf32, #tpu.memory_space<vmem>>) target(%dma_start3A_782 : memref<1x16xf32, #tpu.memory_space<vmem_shared>>) offsets(%dma_start3A_779 : memref<1xi32, #tpu.memory_space<vmem>>) semaphore(%run_scoped3A : memref<!tpu.dma_semaphore, #tpu.memory_space<semaphore_mem>>) {add = true}
      %dma_wait3A_783 = arith.constant 0 : i32
      %dma_wait3A_784 = tpu.memref_slice %arg15[%dma_wait3A_783] : memref<16xi32, #tpu.memory_space<vmem>> -> memref<1xi32, #tpu.memory_space<vmem>>
      %dma_wait3A_785 = arith.constant 0 : i32
      %dma_wait3A_786 = arith.constant 0 : i32
      %dma_wait3A_787 = tpu.memref_slice %arg17[%dma_wait3A_785, %dma_wait3A_786] : memref<1x16xf32, #tpu.memory_space<vmem_shared>> -> memref<1x16xf32, #tpu.memory_space<vmem_shared>>
      tpu.wait_indirect_dma semaphore(%run_scoped3A : memref<!tpu.dma_semaphore, #tpu.memory_space<semaphore_mem>>) src(%arg14 : memref<1x16xf32, #tpu.memory_space<vmem>>) dst(%dma_wait3A_787 : memref<1x16xf32, #tpu.memory_space<vmem_shared>>)
      tpu.yield
    }) : () -> ()
    %barrier3A_772 = arith.constant 0 : index
    tpu.barrier barrier_id(%barrier3A_772)
    %eq3A_773 = arith.constant 0 : i32
    %eq3A_774 = arith.cmpi eq, %arg1, %eq3A_773 : i32
    %convert_element_type3A_775 = arith.extui %eq3A_774 : i1 to i32
    %cond3A_776 = arith.constant 0 : i32
    %cond3A_777 = arith.cmpi ne, %convert_element_type3A_775, %cond3A_776 : i32
    scf.if %cond3A_777 {
      "tpu.region"() ({
        %run_scoped3A = tpu.sem_alloc : memref<!tpu.dma_semaphore, #tpu.memory_space<semaphore_mem>>
        tpu.enqueue_dma source(%arg17 : memref<1x16xf32, #tpu.memory_space<vmem_shared>>) target(%arg14 : memref<1x16xf32, #tpu.memory_space<vmem>>) target_semaphore(%run_scoped3A : memref<!tpu.dma_semaphore, #tpu.memory_space<semaphore_mem>>)
        tpu.wait_dma2 semaphore(%run_scoped3A : memref<!tpu.dma_semaphore, #tpu.memory_space<semaphore_mem>>) src(%arg17 : memref<1x16xf32, #tpu.memory_space<vmem_shared>>) dst(%arg14 : memref<1x16xf32, #tpu.memory_space<vmem>>)
        tpu.yield
      }) : () -> ()
      %get3A_778 = arith.constant 0 : i32
      %get3A_779 = arith.index_cast %get3A_778 : i32 to index
      %get3A_780 = arith.constant 0 : index
      %get3A_781 = tpu.vector_load %arg14[%get3A_779, %get3A_780] {strides = array<i32>} : memref<1x16xf32, #tpu.memory_space<vmem>>, vector<16xf32>,
      %reduce_sum3A = arith.constant true
      %reduce_sum3A_782 = vector.broadcast %reduce_sum3A : i1 to vector<16xi1>
      %reduce_sum3A_783 = tpu.scan <sum>, %get3A_781 masked %reduce_sum3A_782 : vector<16xf32>, vector<16xi1> -> vector<16xf32>
      %reduce_sum3A_784 = vector.extract %reduce_sum3A_783[15] : f32 from vector<16xf32>
      %mul3A = arith.constant 1.22070313E-4 : f32
      %mul3A_785 = arith.mulf %reduce_sum3A_784, %mul3A : f32
      %broadcast_in_dim3A_786 = vector.broadcast %mul3A_785 : f32 to vector<16xf32>
      %swap3A_787 = arith.constant 0 : index
      %swap3A_788 = tpu.vector_load %arg16[%swap3A_787] {strides = array<i32>} : memref<16xf32, #tpu.memory_space<vmem>>, vector<16xf32>,
      tpu.vector_store %arg16[%swap3A_787], %broadcast_in_dim3A_786 {strides = array<i32>} : memref<16xf32, #tpu.memory_space<vmem>>, vector<16xf32>,
      "tpu.region"() ({
        %run_scoped3A = tpu.sem_alloc : memref<!tpu.dma_semaphore, #tpu.memory_space<semaphore_mem>>
        %dma_start3A_789 = arith.constant 0 : i32
        %dma_start3A_790 = tpu.memref_slice %arg16[%dma_start3A_789] : memref<16xf32, #tpu.memory_space<vmem>> -> memref<8xf32, #tpu.memory_space<vmem>>
        %dma_start3A_791 = arith.constant 0 : i32
        %dma_start3A_792 = tpu.memref_slice %arg16[%dma_start3A_791] : memref<16xf32, #tpu.memory_space<vmem>> -> memref<8xf32, #tpu.memory_space<vmem>>
        tpu.enqueue_dma source(%dma_start3A_792 : memref<8xf32, #tpu.memory_space<vmem>>) target(%arg7 : memref<8xf32, #tpu.memory_space<hbm>>) target_semaphore(%run_scoped3A : memref<!tpu.dma_semaphore, #tpu.memory_space<semaphore_mem>>)
        %dma_wait3A_793 = arith.constant 0 : i32
        %dma_wait3A_794 = tpu.memref_slice %arg16[%dma_wait3A_793] : memref<16xf32, #tpu.memory_space<vmem>> -> memref<8xf32, #tpu.memory_space<vmem>>
        %dma_wait3A_795 = arith.constant 0 : i32
        %dma_wait3A_796 = tpu.memref_slice %arg16[%dma_wait3A_795] : memref<16xf32, #tpu.memory_space<vmem>> -> memref<8xf32, #tpu.memory_space<vmem>>
        tpu.wait_dma2 semaphore(%run_scoped3A : memref<!tpu.dma_semaphore, #tpu.memory_space<semaphore_mem>>) src(%dma_wait3A_796 : memref<8xf32, #tpu.memory_space<vmem>>) dst(%arg7 : memref<8xf32, #tpu.memory_space<hbm>>)
        tpu.yield
      }) : () -> ()
    } else {
    }
    return
  }
}

</mosaic_0001>

<sc_bundles>
// kernel: kernel.3.cloned.1.call-start
scs
__scs_entry_jumppad:
0x0: {  	(pc) =	sbr.rel $0x88, $3  }
0x1: {  	(tag) =	ssettag $0x0;
	lr =	simm.s32 $0x1  }
0x2: {  	[smem:$0x3F9E] =	sst lr;
	_ =	strace $0xD0000000  }
0x3: {  	_ = 	snop  }
0x4: {  	_ = 	snop  }
0x5: {  	_ = 	snop  }
0x6: {  	_ = 	snop  }
0x7: {  	_ = 	snop  }
__scs_overlays_trampoline_lowered:
0x8: {  	[smem:$0x3FAD] =	sst s0  }
0x9: {  	[smem:$0x3FAE] =	sst s1  }
0xa: {  	[smem:$0x3FAF] =	sst s2  }
0xb: {  	[smem:$0x3FB0] =	sst s3  }
0xc: {  	[smem:$0x3FB1] =	sst s4  }
0xd: {  	[smem:$0x3FB2] =	sst s5  }
0xe: {  	[smem:$0x3FB3] =	sst s6  }
0xf: {  	[smem:$0x3FB4] =	sst s7  }
0x10: {  	[smem:$0x3FB5] =	sst s8  }
0x11: {  	[smem:$0x3FB6] =	sst s9;
	s0 =	simm.s32 @!p0 $0x0  }
0x12: {  	s1 =	sld [smem:$0x3F9C];
	s0 =	simm.s32 @p0 $0x1  }
0x13: {  	[smem:$0x3FB7] =	sst s0;
	s0 =	simm.s32 @!p1 $0x0  }
0x14: {  	s2 =	sld [smem:$0x3F9B];
	s0 =	simm.s32 @p1 $0x1  }
0x15: {  	[smem:$0x3FB8] =	sst s0;
	s0 =	simm.s32 @!p2 $0x0  }
0x16: {  	s3 =	sld [smem:$0x3FDB];
	s0 =	simm.s32 @p2 $0x1  }
0x17: {  	s4 =	simm.s32 $0x1BF5;
	[smem:$0x3FBA] =	sst s0  }
0x18: {  	s0 =	sld [smem:$0x3F9D];
	_ =	swait.ge [sflag:s4], $0x0  }
0x19: {  	s7 =	sld [smem:$0x3F9E]  }
0x1a: {  	s8 =	sadd.s32 $0xFFFFE003, lr  }
0x1b: {  	s9 =	sadd.s32 $0xFFFFFEF7, lr;
	s5 =	simm.s32 $0xFFFFFFFF;
	p2 =	slt.u32 s8, $0xFFFFF086  }
0x1c: {  	p1 =	slt.u32 s9, $0xF7A;
	s5 =	simm.s32 @!p2 $0x0  }
0x1d: {  	s5 =	simm.s32 @p1 $0x1;
	p0 =	seq.s32 s7, s2  }
0x1e: {  	s7 =	smul.u32 @!p0 $0xF7A, s2;
	p2 =	seq.s32 @!p0 s5, $0x0  }
0x1f: {  	s9 =	smul.u32 $0xF7A, s1;
	s8 =	simm.s32 @!p0 $0x1BF5;
	p2 =	por !p2, p0  }
0x20: {  	[sflag:s8] =	ssyncset.s32 @!p0 $0xFFFFF086;
	s6 =	sadd.s32 @!p0 s3, s7;
	s7 =	simm.s32 @!p0 $0x108  }
0x21: {  	s3 =	sadd.s32 s3, s9;
	s6 =	sadd.s32 @!p0 $0x88, s6;
	s7 =	simm.s32 @p2 $0x1082  }
0x22: {  	[simem:s7], [sflag:s8] =	dma.local @!p0 [hbm:s6], $0xF7A  }
0x23: {  	s9 =	sor.u32 $0xD0000000, s2;
	s6 =	simm.s32 $0x108;
	_ =	swait.ge @!p0 [sflag:s8], $0x0  }
0x24: {  	s3 =	sadd.s32 $0x88, s3;
	s6 =	simm.s32 @!p1 $0x1082;
	[sflag:s4] =	ssyncset.s32 $0xFFFFF086  }
0x25: {  	[simem:s6], [sflag:s4] =	dma.local [hbm:s3], $0xF7A  }
0x26: {  	[smem:$0x3F9E] =	sst s1;
	(tag) =	ssettag s2;
	_ =	strace s9  }
0x27: {  	s1 =	sld [smem:$0x3FAE]  }
0x28: {  	s2 =	sld [smem:$0x3FAF]  }
0x29: {  	s4 =	sld [smem:$0x3FB1]  }
0x2a: {  	p0 =	seq.s32 s5, $0x0;
	s5 =	sld [smem:$0x3FB2]  }
0x2b: {  	s6 =	sld [smem:$0x3FB3]  }
0x2c: {  	s7 =	sld [smem:$0x3FB4]  }
0x2d: {  	s3 =	simm.s32 $0x108;
	s8 =	sld [smem:$0x3FB5]  }
0x2e: {  	s3 =	simm.s32 @!p0 $0x1082;
	s9 =	sld [smem:$0x3FB6]  }
0x2f: {  	lr =	sadd.s32 s0, s3;
	s0 =	sld [smem:$0x3FAD]  }
0x30: {  	s3 =	sld [smem:$0x3FB0]  }
0x31: {  	[smem:$0x3FB9] =	sst s10  }
0x32: {  	s10 =	sld [smem:$0x3FB7];
	_ =	sdelay $0x3  }
0x33: {  	p0 =	seq.s32 s10, $0x1;
	s10 =	sld [smem:$0x3FB9];
	_ =	sdelay $0x3  }
0x34: {  	[smem:$0x3FB9] =	sst s10  }
0x35: {  	s10 =	sld [smem:$0x3FB8];
	_ =	sdelay $0x3  }
0x36: {  	p1 =	seq.s32 s10, $0x1;
	s10 =	sld [smem:$0x3FB9];
	_ =	sdelay $0x3  }
0x37: {  	[smem:$0x3FB9] =	sst s10  }
0x38: {  	s10 =	sld [smem:$0x3FBA]  }
0x39: {  	_ = 	snop;
	(pc) =	sbr.ind lr, $3  }
0x3a: {  	_ = 	snop  }
0x3b: {  	_ = 	snop  }
0x3c: {  	p2 =	seq.s32 s10, $0x1;
	s10 =	sld [smem:$0x3FB9]  }
0x3d: {  	_ =	shalt  }
0x3e: {  	_ =	shalt  }
0x3f: {  	_ =	shalt  }
0x40: {  	_ =	shalt  }
0x41: {  	_ =	shalt  }
0x42: {  	_ =	shalt  }
0x43: {  	_ =	shalt  }
0x44: {  	_ =	shalt  }
0x45: {  	_ =	shalt  }
0x46: {  	_ =	shalt  }
0x47: {  	_ =	shalt  }
0x48: {  	_ =	shalt  }
0x49: {  	_ =	shalt  }
0x4a: {  	_ =	shalt  }
0x4b: {  	_ =	shalt  }
0x4c: {  	_ =	shalt  }
0x4d: {  	_ =	shalt  }
0x4e: {  	_ =	shalt  }
0x4f: {  	_ =	shalt  }
0x50: {  	_ =	shalt  }
0x51: {  	_ =	shalt  }
0x52: {  	_ =	shalt  }
0x53: {  	_ =	shalt  }
0x54: {  	_ =	shalt  }
0x55: {  	_ =	shalt  }
0x56: {  	_ =	shalt  }
0x57: {  	_ =	shalt  }
0x58: {  	_ =	shalt  }
0x59: {  	_ =	shalt  }
0x5a: {  	_ =	shalt  }
0x5b: {  	_ =	shalt  }
0x5c: {  	_ =	shalt  }
0x5d: {  	_ =	shalt  }
0x5e: {  	_ =	shalt  }
0x5f: {  	_ =	shalt  }
0x60: {  	_ =	shalt  }
0x61: {  	_ =	shalt  }
0x62: {  	_ =	shalt  }
0x63: {  	_ =	shalt  }
0x64: {  	_ =	shalt  }
0x65: {  	_ =	shalt  }
0x66: {  	_ =	shalt  }
0x67: {  	_ =	shalt  }
0x68: {  	_ =	shalt  }
0x69: {  	_ =	shalt  }
0x6a: {  	_ =	shalt  }
0x6b: {  	_ =	shalt  }
0x6c: {  	_ =	shalt  }
0x6d: {  	_ =	shalt  }
0x6e: {  	_ =	shalt  }
0x6f: {  	_ =	shalt  }
0x70: {  	_ =	shalt  }
0x71: {  	_ =	shalt  }
0x72: {  	_ =	shalt  }
0x73: {  	_ =	shalt  }
0x74: {  	_ =	shalt  }
0x75: {  	_ =	shalt  }
0x76: {  	_ =	shalt  }
0x77: {  	_ =	shalt  }
0x78: {  	_ =	shalt  }
0x79: {  	_ =	shalt  }
0x7a: {  	_ =	shalt  }
0x7b: {  	_ =	shalt  }
0x7c: {  	_ =	shalt  }
0x7d: {  	_ =	shalt  }
0x7e: {  	_ =	shalt  }
0x7f: {  	_ =	shalt  }
0x80: {  	_ =	shalt  }
0x81: {  	_ =	shalt  }
0x82: {  	_ =	shalt  }
0x83: {  	_ =	shalt  }
0x84: {  	_ =	shalt  }
0x85: {  	_ =	shalt  }
0x86: {  	_ =	shalt  }
0x87: {  	_ =	shalt  }
.Lfunc_end0:
.L_simem_size_0:
called_computation_lowered:
.L_overlay_start_0:
0x88: {  	s0 =	sld [smem:$0x3FD9]  }
0x89: {  	s1 =	sld [smem:$0x3FFE];
	_ =	sdelay $0x3  }
0x8a: {  	s0 =	sadd.s32 s1, s0  }
0x8b: {  	[smem:$0x3FC5] =	sst s0  }
0x8c: {  	_ = 	snop  }
0x8d: {  	s0 =	sld [smem:$0x3FC9]  }
0x8e: {  	s16 =	sld [smem:$0x3FC7]  }
0x8f: {  	s2 =	sld [smem:$0x3FD0];
	(tm) =	ssettm $0x1  }
0x90: {  	s3 =	sld [smem:$0x3FFB];
	_ =	sdelay $0x3  }
0x91: {  	_ =	strace s3  }
0x92: {  	s3 =	sld [smem:$0x3FFC];
	_ =	sdelay $0x3  }
0x93: {  	_ =	strace s3  }
0x94: {  	s3 =	sld [smem:$0x3FFD];
	_ =	sdelay $0x3  }
0x95: {  	_ =	strace s3  }
0x96: {  	_ =	strace $0x8FFFFFFF  }
0x97: {  	s17 =	sld [smem:$0x3FDB];
	_ =	sdelay $0x1  }
0x98: {  	s4 =	simm.s32 $_scs_section_size  }
0x99: {  	s5 =	simm.s32 $_size__tile_overlayer_lowered;
	s6 =	simm.s32 $_tile_overlayer_lowered  }
0x9a: {  	s20 =	simm.s32 $0x1BFF;
	s19 =	sshll.u32 s6, $0x1;
	s3 =	sadd.s32 s4, s17  }
0x9b: {  	s7 =	simm.s32 $0x0;
	s18 =	sshll.u32 s5, $0x1;
	s5 =	sadd.s32 s19, s3  }
0x9c: {  	[timem:s7], [sflag:s20] =	dma.local [hbm:s5], s18  }
0x9d: {  	_ =	swait.ge [sflag:s20], s18  }
0x9e: {  	s4 =	ssub.s32 $0x0, s18;
	[sflag:s20] =	ssyncset.done $0x0  }
0x9f: {  	[sflag:s20] =	ssyncadd.s32 s4;
	_ =	sdelay $0x1  }
0xa0: {  	s21 =	simm.s32 $0x1B8B  }
0xa1: {  	_ =	swait.ge [sflag:s21], $0x1  }
0xa2: {  	[sflag:s21] =	ssyncset.done $0x0  }
0xa3: {  	s23 =	simm.s32 $0x1B8E;
	s22 =	sld [smem:$0x3FFE];
	[sflag:s21] =	ssyncadd.s32 $0xFFFFFFFF  }
0xa4: {  	s24 =	simm.s32 $execute0_lowered;
	[smem:$0x3FD2] =	sst s23  }
0xa5: {  	s5 =	sshll.u32 s24, $0x1;
	_ =	strace $0x80000046;
	[dreg:$0x1] =	wrdreg $0xFFFFFFFF  }
0xa6: {  	s25 =	simm.s32 $_size_execute0_lowered;
	s3 =	sadd.s32 s3, s5;
	[dreg:$0x0] =	wrdreg $0x0  }
0xa7: {  	s5 =	sshll.u32 s25, $0x1;
	[dreg:$0x2] =	wrdreg s3  }
0xa8: {  	[dreg:$0x3] =	wrdreg s5  }
0xa9: {  	[dreg:$0x4] =	wrdreg $0xC0  }
0xaa: {  	_ =	task [dreg:s7], $0x5FFFF  }
0xab: {  	[dreg:$0x1] =	wrdreg $0xFFFFFFFF  }
0xac: {  	[dreg:$0x0] =	wrdreg $0x60  }
0xad: {  	[dreg:$0x2] =	wrdreg s0  }
0xae: {  	[dreg:$0x3] =	wrdreg s22  }
0xaf: {  	[dreg:$0x4] =	wrdreg s16  }
0xb0: {  	[dreg:$0x5] =	wrdreg s2  }
0xb1: {  	[dreg:$0x6] =	wrdreg $0x25300  }
0xb2: {  	[dreg:$0x7] =	wrdreg $0x9  }
0xb3: {  	_ =	task.clear_ibuf [dreg:s7], $0x8FFFF;
	_ =	strace $0x90000046  }
0xb4: {  	s26 =	simm.s32 $0x9;
	_ =	strace $0x80000048  }
0xb5: {  	_ =	swait.ge [sflag:s26], $0x1  }
0xb6: {  	[sflag:s26] =	ssyncadd.s32 $0xFFFFFFFF  }
0xb7: {  	_ =	strace $0x90000048  }
0xb8: {  	_ =	sfence  }
0xb9: {  	s28 =	sld [smem:$0x0];
	_ =	sdelay $0x1  }
0xba: {  	s29 =	srdreg.scid  }
0xbb: {  	s30 =	sshll.u32 s29, $0xD;
	s31 =	sshrl.u32 s29, $0x2  }
0xbc: {  	s1 =	sand.u32 $0x1, s29;
	s2 =	sand.u32 $0x4000, s30;
	s0 =	sadd.s32 s31, s28  }
0xbd: {  	s1 =	sor.u32 s2, s1;
	s0 =	sshll.u32 s0, $0x11  }
0xbe: {  	s0 =	sor.u32 s0, s1  }
0xbf: {  	s0 =	sadd.s32 $0x8F2B, s0  }
0xc0: {  	[sflag:s0] =	ssyncadd.remote.s32 $0x1  }
0xc1: {  	_ =	sfence.sel $0xFFFF  }
0xc2: {  	[dreg:$0x0] =	wrdreg $0xFFFFFFFF;
	(pc) =	sbr.abs _section_cstart, $3  }
0xc3: {  	[dreg:$0x1] =	wrdreg $0xFFFFFFFF  }
0xc4: {  	_ =	task.clear_ibuf [dreg:s7], $0x2FFFF;
	_ =	strace $0x9FFFFFFF  }
0xc5: {  	(tm) =	ssettm $0x7FFFFFFF  }
tec
execute0_lowered:
.L_overlay_start_1:
0x0: {  	(tag) =	ssettag $0x1  }
0x1: {  	s8 =	rddreg [dreg:$0x0]  }
0x2: {  	s3 =	rddreg [dreg:$0x1]  }
0x3: {  	s4 =	rddreg [dreg:$0x2]  }
0x4: {  	s1 =	rddreg [dreg:$0x3];
	s5 =	stileid.u32  }
0x5: {  	s2 =	rddreg [dreg:$0x4];
	s7 =	simm.s32 $0x0;
	s6 =	sshll.u32 s5, $0x5  }
0x6: {  	[smem:$0x7FF] =	sst s7;
	s3 =	sadd.s32 s6, s3  }
0x7: {  	s0 =	rddreg [dreg:$0x5];
	_ =	strace $0x80000047;
	s6 =	sadd.s32 $0x800, s3  }
0x8: {  	[tilespmem:s7], [sflag:$0x1] =	stream.linear.gather [hbm4b:s6+s7], $0x100, $0x38;
	[tilespmem:$0x2538] =	vst v63  }
0x9: {  	s9 =	simm.s32 $0x100;
	s15 =	sadd.s32 $0x600, s3  }
0xa: {  	[tilespmem:s9], [sflag:$0x1] =	stream.linear.gather [hbm4b:s15+s7], $0x100, $0x38;
	[tilespmem:$0x2538] =	vst v63  }
0xb: {  	s10 =	simm.s32 $0x200;
	s16 =	sshll.u32 s5, $0x6;
	s3 =	sadd.s32 $0xA00, s3  }
0xc: {  	[tilespmem:s10], [sflag:$0x1] =	stream.linear.gather [hbm4b:s3+s7], $0x100, $0x38;
	[tilespmem:$0x2538] =	vst v63  }
0xd: {  	s18 =	simm.s32 $0x2300;
	p0 =	sne.s32 s5, $0x0;
	s17 =	sadd.s32 s4, s16  }
0xe: {  	v0 =	vlaneseq.u32;
	[tilespmem:s18], [sflag:$0x2] =	stream.linear.gather [hbm4b:s17+s7], $0x200, $0x38;
	[tilespmem:$0x2538] =	vst v63  }
0xf: {  	v1 =	vimm.f32 @!p0 $0.0e+00;
	[tilespmem:$0x2510] =	vst v0  }
0x10: {  	s4 =	simm.s32 @!p0 $0x2500;
	s3 =	simm.s32 @!p0 $0x5;
	[tilespmem:$0x2500] =	vst @!p0 v1  }
0x11: {  	[spmem:s2] =	stream.linear.scatter @!p0 [tilespmem:s4], [sflag:$0x5], $0x10, $0x38;
	[tilespmem:$0x2538] =	vst v63  }
0x12: {  	_ =	swait.ge @!p0 [sflag:s3], $0x10  }
0x13: {  	[sflag:s3] =	ssyncset.done @!p0 $0x0  }
0x14: {  	[sflag:s3] =	ssyncadd.s32 @!p0 $0xFFFFFFF0  }
0x15: {  	s19 =	simm.s32 $0x1;
	[bflag:$0x0] =	sbarrier.arrive $0xFFFF  }
0x16: {  	_ =	swait.ge [sflag:s19], $0x100  }
0x17: {  	[sflag:s19] =	ssyncset.done $0x0  }
0x18: {  	s20 =	simm.s32 $0x80;
	s21 =	simm.s32 $0x300;
	[sflag:s19] =	ssyncadd.s32 $0xFFFFFF00  }
0x19: {  	[tilespmem:s21], [sflag:$0x3] =	stream.indirect.gather [hbm4b:s8+s20], $0x10, s7, s20, $0xb8;
	[tilespmem:$0x2538] =	vst v63  }
0x1a: {  	s22 =	simm.s32 $0xB00  }
0x1b: {  	[tilespmem:s22], [sflag:$0x4] =	stream.indirect.gather [hbm4b:s8+s20], $0x10, s20, s20, $0xb8;
	[tilespmem:$0x2538] =	vst v63  }
0x1c: {  	_ =	swait.ge [sflag:s19], $0x100  }
0x1d: {  	[sflag:s19] =	ssyncset.done $0x0  }
0x1e: {  	s23 =	simm.s32 $0x1300;
	[sflag:s19] =	ssyncadd.s32 $0xFFFFFF00  }
0x1f: {  	[tilespmem:s23], [sflag:$0x3] =	stream.indirect.gather [hbm4b:s8+s20], $0x10, s9, s20, $0xb8;
	[tilespmem:$0x2538] =	vst v63  }
0x20: {  	s24 =	simm.s32 $0x180;
	s11 =	simm.s32 $0x1B00  }
0x21: {  	[tilespmem:s11], [sflag:$0x4] =	stream.indirect.gather [hbm4b:s8+s20], $0x10, s24, s20, $0xb8;
	[tilespmem:$0x2538] =	vst v63  }
0x22: {  	_ =	swait.ge [sflag:s19], $0x100  }
0x23: {  	[sflag:s19] =	ssyncset.done $0x0  }
0x24: {  	s25 =	simm.s32 $0x2;
	[sflag:s19] =	ssyncadd.s32 $0xFFFFFF00  }
0x25: {  	_ =	swait.ge [sflag:s25], $0x200  }
0x26: {  	[sflag:s25] =	ssyncset.done $0x0  }
0x27: {  	s26 =	simm.s32 $0x3;
	[sflag:s25] =	ssyncadd.s32 $0xFFFFFE00  }
0x28: {  	_ =	swait.ge [sflag:s26], $0x800  }
0x29: {  	[sflag:s26] =	ssyncset.done $0x0  }
0x2a: {  	[sflag:s26] =	ssyncadd.s32 $0xFFFFF800  }
0x2b: {  	_ =	swait.ge [sflag:s26], $0x800  }
0x2c: {  	[sflag:s26] =	ssyncset.done $0x0  }
0x2d: {  	[sflag:s26] =	ssyncadd.s32 $0xFFFFF800  }
0x2e: {  	v62 =	vld [tilespmem:$0x200]  }
0x2f: {  	v2 =	vld [tilespmem:$0x210]  }
0x30: {  	v4 =	vld [tilespmem:$0x2300]  }
0x31: {  	v5 =	vld [tilespmem:$0x2380]  }
0x32: {  	v7 =	vld [tilespmem:$0x2310]  }
0x33: {  	v8 =	vld [tilespmem:$0x2390]  }
0x34: {  	v9 =	vld [tilespmem:$0x220]  }
0x35: {  	v10 =	vld [tilespmem:$0x2320]  }
0x36: {  	v11 =	vld [tilespmem:$0x23A0]  }
0x37: {  	v12 =	vld [tilespmem:$0x230]  }
0x38: {  	v13 =	vld [tilespmem:$0x2330]  }
0x39: {  	v14 =	vld [tilespmem:$0x23B0]  }
0x3a: {  	v24 =	vld [tilespmem:$0x240];
	v4 =	vadd.f32 $9.999999740e-05, v4  }
0x3b: {  	v26 =	vld [tilespmem:$0x2340];
	v5 =	vadd.f32 $9.999999740e-05, v5  }
0x3c: {  	v28 =	vld [tilespmem:$0x23C0];
	v23 =	vadd.f32 $9.999999740e-05, v7;
	(erf) = vrcp.f32 v4  }
0x3d: {  	v30 =	vld [tilespmem:$0x2350];
	v25 =	vadd.f32 $9.999999740e-05, v8;
	(erf) = vrcp.f32 v5  }
0x3e: {  	v32 =	vld [tilespmem:$0x23D0];
	v27 =	vadd.f32 $9.999999740e-05, v10;
	(erf) = vrcp.f32 v23  }
0x3f: {  	v0 =	vmul.u32 $0x10, v0;
	v34 =	vld [tilespmem:$0x2360];
	v29 =	vadd.f32 $9.999999740e-05, v11;
	(erf) = vrcp.f32 v25  }
0x40: {  	v36 =	vld [tilespmem:$0x23E0];
	v31 =	vadd.f32 $9.999999740e-05, v13;
	(erf) = vrcp.f32 v27  }
0x41: {  	v38 =	vld [tilespmem:$0x2370];
	v1 =	vadd.s32 v0, v62;
	v33 =	vadd.f32 $9.999999740e-05, v14;
	(erf) = vrcp.f32 v29  }
0x42: {  	v3 =	vor.u32 $0x100, v0;
	v40 =	vld [tilespmem:$0x23F0];
	v35 =	vadd.f32 $9.999999740e-05, v26;
	(erf) = vrcp.f32 v31  }
0x43: {  	v42 =	vld [tilespmem:$0x250];
	v2 =	vadd.s32 v3, v2;
	v37 =	vadd.f32 $9.999999740e-05, v28;
	(erf) = vrcp.f32 v33  }
0x44: {  	v15 =	vor.u32 $0x200, v0;
	v46 =	vld [tilespmem:$0x260];
	v39 =	vadd.f32 $9.999999740e-05, v30;
	(erf) = vrcp.f32 v35  }
0x45: {  	v50 =	vld [tilespmem:$0x270];
	v9 =	vadd.s32 v15, v9;
	v13 =	vadd.f32 $9.999999740e-05, v32;
	v41 =	vpop (erf);
	(erf) = vrcp.f32 v37  }
0x46: {  	v16 =	vor.u32 $0x300, v0;
	v43 =	vadd.f32 $9.999999740e-05, v34;
	v63 =	vld.idx.msk [tilespmem:v1+s21+$0x0], $0xffff;
	v17 =	vpop (erf);
	(erf) = vrcp.f32 v39  }
0x47: {  	v12 =	vadd.s32 v16, v12;
	v8 =	vadd.f32 $9.999999740e-05, v36;
	v1 =	vld.idx.msk [tilespmem:v1+s23+$0x0], $0xffff;
	v44 =	vpop (erf);
	(erf) = vrcp.f32 v13  }
0x48: {  	v45 =	vor.u32 $0x400, v0;
	v47 =	vadd.f32 $9.999999740e-05, v38;
	v6 =	vld.idx.msk [tilespmem:v2+s21+$0x0], $0xffff;
	v18 =	vpop (erf);
	(erf) = vrcp.f32 v43  }
0x49: {  	v7 =	vadd.s32 v45, v24;
	v11 =	vadd.f32 $9.999999740e-05, v40;
	v2 =	vld.idx.msk [tilespmem:v2+s23+$0x0], $0xffff;
	v48 =	vpop (erf);
	(erf) = vrcp.f32 v8  }
0x4a: {  	v49 =	vor.u32 $0x500, v0;
	v19 =	vld.idx.msk [tilespmem:v9+s21+$0x0], $0xffff;
	v20 =	vpop (erf);
	(erf) = vrcp.f32 v47  }
0x4b: {  	v5 =	vadd.s32 v49, v42;
	v9 =	vld.idx.msk [tilespmem:v9+s23+$0x0], $0xffff;
	v52 =	vpop (erf);
	(erf) = vrcp.f32 v11  }
0x4c: {  	v21 =	vor.u32 $0x600, v0;
	v51 =	vld.idx.msk [tilespmem:v12+s21+$0x0], $0xffff;
	v53 =	vpop (erf)  }
0x4d: {  	v12 =	vld.idx.msk [tilespmem:v12+s23+$0x0], $0xffff;
	v13 =	vadd.s32 v21, v46;
	v54 =	vpop (erf)  }
0x4e: {  	v56 =	vor.u32 $0x700, v0;
	v55 =	vld.idx.msk [tilespmem:v7+s21+$0x0], $0xffff;
	v22 =	vpop (erf)  }
0x4f: {  	v7 =	vld.idx.msk [tilespmem:v7+s23+$0x0], $0xffff;
	v8 =	vadd.s32 v56, v50;
	v57 =	vpop (erf)  }
0x50: {  	v58 =	vld.idx.msk [tilespmem:v5+s21+$0x0], $0xffff;
	v3 =	vmul.f32 v41, v63;
	v1 =	vmul.f32 v17, v1;
	v23 =	vpop (erf)  }
0x51: {  	v5 =	vld.idx.msk [tilespmem:v5+s23+$0x0], $0xffff;
	v24 =	vpop (erf)  }
0x52: {  	v3 =	vadd.f32 $-1.000000000e+00, v3;
	v6 =	vmul.f32 v44, v6;
	v1 =	vadd.f32 $-1.000000000e+00, v1;
	v59 =	vld.idx.msk [tilespmem:v13+s21+$0x0], $0xffff;
	v61 =	vpop (erf)  }
0x53: {  	v2 =	vmul.f32 v18, v2;
	v60 =	vld.idx.msk [tilespmem:v13+s23+$0x0], $0xffff;
	v25 =	vpop (erf)  }
0x54: {  	s28 =	simm.s32 $0x4;
	v3 =	vand.u32 $0x7FFFFFFF, v3;
	v6 =	vadd.f32 $-1.000000000e+00, v6;
	v1 =	vand.u32 $0x7FFFFFFF, v1;
	v62 =	vld.idx.msk [tilespmem:v8+s21+$0x0], $0xffff;
	v26 =	vpop (erf)  }
0x55: {  	v1 =	vadd.f32 v1, v3;
	v63 =	vld.idx.msk [tilespmem:v8+s23+$0x0], $0xffff;
	_ =	swait.ge [sflag:s28], $0x800  }
0x56: {  	v10 =	vmul.f32 v48, v19;
	v2 =	vadd.f32 $-1.000000000e+00, v2;
	v6 =	vand.u32 $0x7FFFFFFF, v6;
	[sflag:s28] =	ssyncset.done $0x0  }
0x57: {  	v34 =	vor.u32 $0x800, v0;
	v1 =	vadd.f32 v6, v1;
	[sflag:s28] =	ssyncadd.s32 $0xFFFFF800  }
0x58: {  	v9 =	vmul.f32 v20, v9;
	v10 =	vadd.f32 $-1.000000000e+00, v10;
	v2 =	vand.u32 $0x7FFFFFFF, v2;
	_ =	swait.ge [sflag:s28], $0x800  }
0x59: {  	v45 =	vor.u32 $0x900, v0;
	v21 =	vor.u32 $0xC00, v0;
	v1 =	vadd.f32 v2, v1;
	[sflag:s28] =	ssyncset.done $0x0  }
0x5a: {  	v27 =	vmul.f32 v52, v51;
	v9 =	vadd.f32 $-1.000000000e+00, v9;
	v28 =	vand.u32 $0x7FFFFFFF, v10;
	[sflag:s28] =	ssyncadd.s32 $0xFFFFF800  }
0x5b: {  	v29 =	vmul.f32 v53, v12;
	v53 =	vor.u32 $0xA00, v0;
	v1 =	vadd.f32 v28, v1;
	v31 =	vld [tilespmem:$0x280]  }
0x5c: {  	v9 =	vand.u32 $0x7FFFFFFF, v9;
	v7 =	vmul.f32 v22, v7;
	v2 =	vadd.f32 $-1.000000000e+00, v27;
	v32 =	vld [tilespmem:$0x2400]  }
0x5d: {  	v30 =	vmul.f32 v54, v55;
	v4 =	vadd.f32 $-1.000000000e+00, v29;
	v1 =	vadd.f32 v9, v1;
	v35 =	vld [tilespmem:$0x2480]  }
0x5e: {  	v33 =	vmul.f32 v57, v58;
	v7 =	vadd.f32 $-1.000000000e+00, v7;
	v2 =	vand.u32 $0x7FFFFFFF, v2;
	v37 =	vld [tilespmem:$0x2410]  }
0x5f: {  	v4 =	vand.u32 $0x7FFFFFFF, v4;
	v5 =	vmul.f32 v23, v5;
	v1 =	vadd.f32 v2, v1;
	v39 =	vld [tilespmem:$0x290]  }
0x60: {  	v38 =	vmul.f32 v24, v59;
	v7 =	vand.u32 $0x7FFFFFFF, v7;
	v9 =	vadd.f32 $-1.000000000e+00, v30;
	v41 =	vld [tilespmem:$0x2490]  }
0x61: {  	v5 =	vadd.f32 $-1.000000000e+00, v5;
	v3 =	vmul.f32 v61, v60;
	v1 =	vadd.f32 v4, v1;
	v44 =	vld [tilespmem:$0x2A0]  }
0x62: {  	v60 =	vor.u32 $0xB00, v0;
	v9 =	vand.u32 $0x7FFFFFFF, v9;
	v46 =	vld [tilespmem:$0x2420];
	v2 =	vadd.f32 $9.999999740e-05, v32  }
0x63: {  	v48 =	vmul.f32 v25, v62;
	v5 =	vand.u32 $0x7FFFFFFF, v5;
	v1 =	vadd.f32 v9, v1;
	v50 =	vld [tilespmem:$0x24A0]  }
0x64: {  	v3 =	vadd.f32 $-1.000000000e+00, v3;
	v52 =	vld [tilespmem:$0x2B0];
	v40 =	vadd.f32 $9.999999740e-05, v35;
	(erf) = vrcp.f32 v2  }
0x65: {  	v4 =	vadd.f32 $-1.000000000e+00, v33;
	v54 =	vld [tilespmem:$0x2430];
	v1 =	vadd.f32 v7, v1;
	v36 =	vadd.s32 v34, v31  }
0x66: {  	v61 =	vld [tilespmem:$0x24B0];
	v7 =	vadd.f32 $-1.000000000e+00, v38;
	v43 =	vadd.f32 $9.999999740e-05, v37;
	(erf) = vrcp.f32 v40  }
0x67: {  	v51 =	vmul.f32 v26, v63;
	v3 =	vand.u32 $0x7FFFFFFF, v3;
	v4 =	vand.u32 $0x7FFFFFFF, v4;
	v63 =	vld [tilespmem:$0x2C0]  }
0x68: {  	v17 =	vld [tilespmem:$0x2440];
	v1 =	vadd.f32 v4, v1;
	v7 =	vand.u32 $0x7FFFFFFF, v7;
	(erf) = vrcp.f32 v43  }
0x69: {  	v22 =	vld [tilespmem:$0x24C0];
	v4 =	vadd.f32 $-1.000000000e+00, v48;
	v49 =	vadd.f32 $9.999999740e-05, v41;
	v2 =	vadd.s32 v45, v39  }
0x6a: {  	v1 =	vadd.f32 v5, v1;
	v5 =	vadd.s32 v53, v44;
	v56 =	vadd.f32 $9.999999740e-05, v46;
	v42 =	vld.idx.msk [tilespmem:v36+s21+$0x0], $0xffff  }
0x6b: {  	v4 =	vand.u32 $0x7FFFFFFF, v4;
	v10 =	vadd.f32 $9.999999740e-05, v50;
	(erf) = vrcp.f32 v49  }
0x6c: {  	v6 =	vadd.s32 v60, v52;
	v62 =	vadd.f32 $9.999999740e-05, v54;
	v1 =	vadd.f32 v7, v1;
	v47 =	vld.idx.msk [tilespmem:v36+s23+$0x0], $0xffff  }
0x6d: {  	v29 =	vld [tilespmem:$0x24D0];
	v13 =	vadd.f32 $9.999999740e-05, v61;
	v8 =	vadd.f32 $9.999999740e-05, v17;
	v55 =	vpop (erf);
	(erf) = vrcp.f32 v56  }
0x6e: {  	v9 =	vadd.s32 v21, v63;
	v1 =	vadd.f32 v3, v1;
	v3 =	vadd.f32 $-1.000000000e+00, v51;
	v57 =	vld.idx.msk [tilespmem:v2+s21+$0x0], $0xffff  }
0x6f: {  	v24 =	vld [tilespmem:$0x2450];
	v28 =	vadd.f32 $9.999999740e-05, v22;
	v11 =	vmul.f32 v55, v42;
	v59 =	vpop (erf);
	(erf) = vrcp.f32 v10  }
0x70: {  	v35 =	vor.u32 $0xD00, v0;
	v1 =	vadd.f32 v4, v1;
	v3 =	vand.u32 $0x7FFFFFFF, v3;
	v2 =	vld.idx.msk [tilespmem:v2+s23+$0x0], $0xffff  }
0x71: {  	v27 =	vld [tilespmem:$0x2D0];
	v7 =	vmul.f32 v59, v47;
	v15 =	vpop (erf);
	(erf) = vrcp.f32 v62;
	v58 =	vadd.f32 $-1.000000000e+00, v11  }
0x72: {  	v39 =	vadd.f32 $9.999999740e-05, v29;
	v43 =	vor.u32 $0xE00, v0;
	v16 =	vld.idx.msk [tilespmem:v5+s21+$0x0], $0xffff;
	v1 =	vadd.f32 v3, v1  }
0x73: {  	v34 =	vld [tilespmem:$0x2460];
	v4 =	vmul.f32 v15, v57;
	v7 =	vadd.f32 $-1.000000000e+00, v7;
	v14 =	vand.u32 $0x7FFFFFFF, v58  }
0x74: {  	v0 =	vor.u32 $0xF00, v0;
	v18 =	vld.idx.msk [tilespmem:v5+s23+$0x0], $0xffff;
	v20 =	vpop (erf);
	(erf) = vrcp.f32 v13;
	v1 =	vadd.f32 v14, v1  }
0x75: {  	v37 =	vld [tilespmem:$0x24E0];
	v2 =	vmul.f32 v20, v2;
	v4 =	vadd.f32 $-1.000000000e+00, v4;
	v19 =	vand.u32 $0x7FFFFFFF, v7  }
0x76: {  	v23 =	vld.idx.msk [tilespmem:v6+s21+$0x0], $0xffff;
	v5 =	vadd.f32 $9.999999740e-05, v24;
	v1 =	vadd.f32 v19, v1;
	v25 =	vpop (erf);
	(erf) = vrcp.f32 v8  }
0x77: {  	v44 =	vld [tilespmem:$0x24F0];
	v2 =	vadd.f32 $-1.000000000e+00, v2;
	v4 =	vand.u32 $0x7FFFFFFF, v4;
	v26 =	vmul.f32 v25, v16  }
0x78: {  	v6 =	vld.idx.msk [tilespmem:v6+s23+$0x0], $0xffff;
	v7 =	vadd.s32 v35, v27;
	v1 =	vadd.f32 v4, v1;
	v31 =	vpop (erf);
	(erf) = vrcp.f32 v28  }
0x79: {  	v36 =	vld [tilespmem:$0x2E0];
	v2 =	vand.u32 $0x7FFFFFFF, v2;
	v3 =	vmul.f32 v31, v18;
	v30 =	vadd.f32 $-1.000000000e+00, v26  }
0x7a: {  	v40 =	vld [tilespmem:$0x2470];
	v8 =	vadd.f32 $9.999999740e-05, v34;
	v33 =	vpop (erf);
	(erf) = vrcp.f32 v5;
	v1 =	vadd.f32 v2, v1  }
0x7b: {  	v32 =	vld.idx.msk [tilespmem:v9+s21+$0x0], $0xffff;
	v4 =	vmul.f32 v33, v23;
	v3 =	vadd.f32 $-1.000000000e+00, v3;
	v2 =	vand.u32 $0x7FFFFFFF, v30  }
0x7c: {  	v42 =	vld [tilespmem:$0x2F0];
	v5 =	vadd.f32 $9.999999740e-05, v37;
	(erf) = vrcp.f32 v39;
	v1 =	vadd.f32 v2, v1  }
0x7d: {  	v38 =	vld.idx.msk [tilespmem:v9+s23+$0x0], $0xffff;
	v41 =	vpop (erf);
	(erf) = vrcp.f32 v8;
	v4 =	vadd.f32 $-1.000000000e+00, v4;
	v3 =	vand.u32 $0x7FFFFFFF, v3  }
0x7e: {  	v1 =	vadd.f32 v3, v1;
	v3 =	vmul.f32 v41, v6;
	v6 =	vadd.s32 v43, v36  }
0x7f: {  	v51 =	vadd.f32 $9.999999740e-05, v44;
	v10 =	vadd.f32 $9.999999740e-05, v40;
	v46 =	vld.idx.msk [tilespmem:v7+s21+$0x0], $0xffff;
	v4 =	vand.u32 $0x7FFFFFFF, v4;
	v45 =	vpop (erf)  }
0x80: {  	(erf) = vrcp.f32 v5;
	v47 =	vmul.f32 v45, v32;
	v3 =	vadd.f32 $-1.000000000e+00, v3  }
0x81: {  	v0 =	vadd.s32 v0, v42;
	v49 =	vld.idx.msk [tilespmem:v7+s23+$0x0], $0xffff;
	v1 =	vadd.f32 v4, v1;
	v48 =	vpop (erf);
	(erf) = vrcp.f32 v10  }
0x82: {  	v2 =	vmul.f32 v48, v38;
	v3 =	vand.u32 $0x7FFFFFFF, v3;
	v4 =	vadd.f32 $-1.000000000e+00, v47  }
0x83: {  	v50 =	vpop (erf);
	(erf) = vrcp.f32 v51;
	v1 =	vadd.f32 v3, v1;
	v53 =	vld.idx.msk [tilespmem:v6+s21+$0x0], $0xffff  }
0x84: {  	v52 =	vmul.f32 v50, v46;
	v2 =	vadd.f32 $-1.000000000e+00, v2;
	v4 =	vand.u32 $0x7FFFFFFF, v4  }
0x85: {  	v54 =	vpop (erf);
	v55 =	vld.idx.msk [tilespmem:v6+s23+$0x0], $0xffff;
	v1 =	vadd.f32 v4, v1  }
0x86: {  	v5 =	vmul.f32 v54, v49;
	v3 =	vadd.f32 $-1.000000000e+00, v52;
	v2 =	vand.u32 $0x7FFFFFFF, v2  }
0x87: {  	v57 =	vld.idx.msk [tilespmem:v0+s21+$0x0], $0xffff;
	v56 =	vpop (erf);
	v1 =	vadd.f32 v2, v1  }
0x88: {  	v5 =	vadd.f32 $-1.000000000e+00, v5;
	v3 =	vand.u32 $0x7FFFFFFF, v3;
	v6 =	vmul.f32 v56, v53  }
0x89: {  	v0 =	vld.idx.msk [tilespmem:v0+s23+$0x0], $0xffff;
	v58 =	vpop (erf);
	v1 =	vadd.f32 v3, v1  }
0x8a: {  	v59 =	vand.u32 $0x7FFFFFFF, v5;
	v4 =	vmul.f32 v58, v55;
	v60 =	vadd.f32 $-1.000000000e+00, v6  }
0x8b: {  	v61 =	vpop (erf);
	v1 =	vadd.f32 v59, v1  }
0x8c: {  	v2 =	vmul.f32 v61, v57;
	v4 =	vadd.f32 $-1.000000000e+00, v4;
	v62 =	vand.u32 $0x7FFFFFFF, v60  }
0x8d: {  	v63 =	vpop (erf);
	v1 =	vadd.f32 v62, v1  }
0x8e: {  	v0 =	vmul.f32 v63, v0;
	v2 =	vadd.f32 $-1.000000000e+00, v2;
	v4 =	vand.u32 $0x7FFFFFFF, v4  }
0x8f: {  	v1 =	vadd.f32 v4, v1  }
0x90: {  	v0 =	vadd.f32 $-1.000000000e+00, v0;
	v2 =	vand.u32 $0x7FFFFFFF, v2  }
0x91: {  	v1 =	vadd.f32 v2, v1  }
0x92: {  	v0 =	vand.u32 $0x7FFFFFFF, v0  }
0x93: {  	v0 =	vadd.f32 v0, v1;
	_ =	sdelay $0x1  }
0x94: {  	s29 =	simm.s32 $0x2510;
	s30 =	simm.s32 $0x2500;
	s31 =	simm.s32 $0x5;
	[tilespmem:$0x2500] =	vst v0  }
0x95: {  	[spmem:s2] =	stream.indirect.scatter.add.f32 [tilespmem:s30], [sflag:$0x5], $0x10, s29, s19, $0xb8;
	[tilespmem:$0x2538] =	vst v63  }
0x96: {  	_ =	swait.ge [sflag:s31], $0x10  }
0x97: {  	[sflag:s31] =	ssyncset.done $0x0  }
0x98: {  	[sflag:s31] =	ssyncadd.s32 $0xFFFFFFF0  }
0x99: {  	[bflag:$0x0] =	sbarrier.arrive $0xFFFF  }
0x9a: {  	_ =	sfence.sel @p0 $0x180000  }
0x9b: {  	[bflag:$0x0] =	sbarrier.arrive @p0 $0xFFFF  }
0x9c: {  	_ =	strace @p0 $0x90000047  }
0x9d: {  	[bflag:$0x2] =	sbarrier.arrive @p0 $0xFFFF  }
0x9e: {  	[tilespmem:s4], [sflag:$0x5] =	stream.linear.gather @!p0 [spmem:s2], $0x10, $0x38;
	[tilespmem:$0x2538] =	vst v63  }
0x9f: {  	_ =	swait.ge @!p0 [sflag:s3], $0x10  }
0xa0: {  	[sflag:s3] =	ssyncset.done @!p0 $0x0  }
0xa1: {  	[sflag:s3] =	ssyncadd.s32 @!p0 $0xFFFFFFF0  }
0xa2: {  	v0 =	vld @!p0 [tilespmem:$0x2500];
	_ =	sdelay $0x4  }
0xa3: {  	(xrf2) =	vadd.scan.msk.f32 @!p0 $0xffff, v0;
	_ =	sdelay $0x9  }
0xa4: {  	v0, _, _ =	vpop @!p0 (xrf2)  }
0xa5: {  	(v2sf) =	vpush @!p0 v0, $0xF;
	_ =	sdelay $0xe  }
0xa6: {  	s2 =	spop @!p0 (v2sf)  }
0xa7: {  	s2 =	smul.f32 @!p0 $1.220703130e-04, s2;
	_ =	sdelay $0x1  }
0xa8: {  	v0 =	vmov @!p0 s2  }
0xa9: {  	s4 =	simm.s32 @!p0 $0x2520;
	s2 =	simm.s32 @!p0 $0x0;
	[tilespmem:$0x2520] =	vst @!p0 v0  }
0xaa: {  	[hbm4b:s1+s2] =	stream.linear.scatter @!p0 [tilespmem:s4], [sflag:$0x5], $0x8, $0x38;
	[tilespmem:$0x2538] =	vst v63  }
0xab: {  	_ =	swait.ge @!p0 [sflag:s3], $0x8  }
0xac: {  	[sflag:s3] =	ssyncset.done @!p0 $0x0  }
0xad: {  	[sflag:s3] =	ssyncadd.s32 @!p0 $0xFFFFFFF8  }
0xae: {  	_ =	sfence.sel @!p0 $0x180000  }
0xaf: {  	[bflag:$0x0] =	sbarrier.arrive @!p0 $0xFFFF  }
0xb0: {  	_ =	strace @!p0 $0x90000047  }
0xb1: {  	s0 =	sadd.s32 @!p0 $0x100000, s0;
	[bflag:$0x2] =	sbarrier.arrive @!p0 $0xFFFF  }
0xb2: {  	[sflag:s0] =	ssyncadd.tile.s32 @!p0 $0x1;
	_ =	shalt  }
.Lfunc_end2:
_tile_overlayer_lowered:
.L_overlay_start_2:
0xb3: {  	(tag) =	ssettag $0x2  }
0xb4: {  	s0 =	rddreg [dreg:$0x0];
	s2 =	stileid.u32  }
0xb5: {  	s1 =	rddreg [dreg:$0x1];
	p0 =	sne.s32 s2, $0x0  }
0xb6: {  	s3 =	rddreg [dreg:$0x2];
	[bflag:$0x3] =	sbarrier.arrive $0xFFFF;
	s2 =	simm.s32 @!p0 $0x1C05  }
0xb7: {  	[timem:s3], [sflag:s2] =	dma.local @!p0 [hbm:s0], s1  }
0xb8: {  	s0 =	simm.s32 @!p0 $0x5  }
0xb9: {  	_ =	swait.ge @!p0 [sflag:s0], s1  }
0xba: {  	s1 =	ssub.s32 @!p0 $0x0, s1;
	[sflag:s0] =	ssyncset.done @!p0 $0x0  }
0xbb: {  	[sflag:s0] =	ssyncadd.s32 @!p0 s1  }
0xbc: {  	[bflag:$0x3] =	sbarrier.arrive $0xFFFF  }
0xbd: {  	_ =	shalt  }

</sc_bundles>
